<compile_context>
chip_gen: v7x
topology: tpu7x:2x2x1
jax: 0.10.2.dev20260603
libtpu: 0.0.44.dev20260713+nightly
codegen_flags: <defaults>
</compile_context>

<pallas_src>
import functools

import jax
import jax.numpy as jnp
from jax import lax
from jax.experimental import pallas as pl
from jax.experimental.pallas import tpu as pltpu
from jax.experimental.pallas import tpu_sc as plsc

HIDDEN = 128
LANES = 16
NJ = HIDDEN // LANES
EPS = 1e-12


def _rsqrt(x):
    i = lax.bitcast_convert_type(x, jnp.int32)
    i = jnp.int32(0x5F3759DF) - (i >> 1)
    y = lax.bitcast_convert_type(i, jnp.float32)
    for _ in range(3):
        y = y * (jnp.float32(1.5) - jnp.float32(0.5) * x * y * y)
    return y


def _tree_sum(vs):
    vs = list(vs)
    while len(vs) > 1:
        nxt = [vs[k] + vs[k + 1] for k in range(0, len(vs) - 1, 2)]
        if len(vs) % 2:
            nxt.append(vs[-1])
        vs = nxt
    return vs[0]


def _make_sc_kernel(n_tokens, seq_len, n_chunks):
    num_cores, num_subcores = 2, 16
    mesh = plsc.VectorSubcoreMesh(
        core_axis_name="c", subcore_axis_name="s",
        num_cores=num_cores, num_subcores=num_subcores)
    nw = num_cores * num_subcores
    per_w = n_tokens // nw

    s1 = min(128, seq_len)
    s2 = seq_len - s1

    def body(ids_hbm, tt_hbm, word_hbm, pos_hbm, type_hbm, gamma_hbm,
             beta_hbm, out_hbm, idx_a, idx_b, tt_v, rows_v, pos_v,
             type_v, gamma_v, beta_v, sem_g, sem_o, sem_i):
        wid = lax.axis_index("s") * num_cores + lax.axis_index("c")
        base_w = wid * per_w

        s2p = 80
        ttp = seq_len + LANES

        def stage_idx(ci):
            base = base_w + ci * seq_len
            slot = lax.rem(ci, 3)
            pltpu.async_copy(ids_hbm.at[pl.ds(base, s1)],
                             idx_a.at[pl.ds(slot * s1, s1)], sem_i)
            pltpu.async_copy(ids_hbm.at[pl.ds(base + s1, s2)],
                             idx_b.at[pl.ds(slot * s2p, s2)], sem_i)
            pltpu.async_copy(tt_hbm.at[pl.ds(base, seq_len)],
                             tt_v.at[pl.ds(slot * ttp, seq_len)], sem_i)

        def wait_idx(ci):
            base = base_w + ci * seq_len
            slot = lax.rem(ci, 3)
            pltpu.make_async_copy(ids_hbm.at[pl.ds(base, s1)],
                                  idx_a.at[pl.ds(slot * s1, s1)],
                                  sem_i).wait()
            pltpu.make_async_copy(ids_hbm.at[pl.ds(base + s1, s2)],
                                  idx_b.at[pl.ds(slot * s2p, s2)],
                                  sem_i).wait()
            pltpu.make_async_copy(tt_hbm.at[pl.ds(base, seq_len)],
                                  tt_v.at[pl.ds(slot * ttp, seq_len)],
                                  sem_i).wait()

        def issue_gather(ci):
            slot = lax.rem(ci, 3)
            buf = lax.rem(ci, 3)
            pltpu.async_copy(word_hbm.at[idx_a.at[pl.ds(slot * s1, s1)]],
                             rows_v.at[buf, pl.ds(0, s1)], sem_g)
            pltpu.async_copy(word_hbm.at[idx_b.at[pl.ds(slot * s2p, s2)]],
                             rows_v.at[buf, pl.ds(s1, s2)], sem_g)

        def wait_gather(ci):
            slot = lax.rem(ci, 3)
            buf = lax.rem(ci, 3)
            pltpu.make_async_copy(
                word_hbm.at[idx_a.at[pl.ds(slot * s1, s1)]],
                rows_v.at[buf, pl.ds(0, s1)], sem_g).wait()
            pltpu.make_async_copy(
                word_hbm.at[idx_b.at[pl.ds(slot * s2p, s2)]],
                rows_v.at[buf, pl.ds(s1, s2)], sem_g).wait()

        def wait_out(ci):
            buf = lax.rem(ci, 3)
            base = base_w + ci * seq_len
            pltpu.make_async_copy(rows_v.at[buf],
                                  out_hbm.at[pl.ds(base, seq_len)],
                                  sem_o).wait()

        pltpu.sync_copy(pos_hbm.at[pl.ds(0, seq_len)],
                        pos_v.at[pl.ds(0, seq_len)])
        pltpu.sync_copy(pos_hbm.at[pl.ds(0, seq_len)],
                        pos_v.at[pl.ds(seq_len, seq_len)])
        pltpu.sync_copy(type_hbm, type_v)
        pltpu.sync_copy(gamma_hbm, gamma_v)
        pltpu.sync_copy(beta_hbm, beta_v)

        type0 = [type_v[0, pl.ds(j * LANES, LANES)] for j in range(NJ)]
        type1 = [type_v[1, pl.ds(j * LANES, LANES)] for j in range(NJ)]
        gam = [gamma_v[pl.ds(j * LANES, LANES)] for j in range(NJ)]
        bet = [beta_v[pl.ds(j * LANES, LANES)] for j in range(NJ)]

        stage_idx(0)
        stage_idx(1)
        wait_idx(0)
        issue_gather(0)

        @plsc.parallel_loop(0, seq_len, 1, unroll=4)
        def fold_type(i):
            for j in range(NJ):
                pos_v[i, pl.ds(j * LANES, LANES)] = (
                    pos_v[i, pl.ds(j * LANES, LANES)] + type0[j])
            for j in range(NJ):
                pos_v[seq_len + i, pl.ds(j * LANES, LANES)] = (
                    pos_v[seq_len + i, pl.ds(j * LANES, LANES)] + type1[j])

        def chunk_body(ci, carry):
            buf = lax.rem(ci, 3)
            slot = lax.rem(ci, 3)
            base = base_w + ci * seq_len

            @pl.when(ci + 2 < n_chunks)
            def _():
                stage_idx(ci + 2)

            @pl.when(ci >= 2)
            def _():
                wait_out(ci - 2)

            @pl.when(ci + 1 < n_chunks)
            def _():
                wait_idx(ci + 1)
                issue_gather(ci + 1)

            wait_gather(ci)

            @plsc.parallel_loop(0, seq_len, 1, unroll=2,
                                carry=(gam, bet))
            def tok_body(i, c):
                gm, bt = c
                tk = tt_v[pl.ds(slot * ttp + i, LANES)][0]
                pi = i + tk * seq_len
                e = []
                for j in range(NJ):
                    ej = (rows_v[buf, i, pl.ds(j * LANES, LANES)]
                          + pos_v[pi, pl.ds(j * LANES, LANES)])
                    e.append(ej)
                s = _tree_sum(e)
                q = _tree_sum([ej * ej for ej in e])
                mean = jnp.sum(s) * jnp.float32(1.0 / HIDDEN)
                meansq = jnp.sum(q) * jnp.float32(1.0 / HIDDEN)
                var = meansq - mean * mean
                rstd = _rsqrt(var + jnp.float32(EPS))
                for j in range(NJ):
                    rows_v[buf, i, pl.ds(j * LANES, LANES)] = (
                        (e[j] - mean) * (rstd * gm[j]) + bt[j])
                return c

            pltpu.async_copy(rows_v.at[buf], out_hbm.at[pl.ds(base, seq_len)],
                             sem_o)
            return carry

        lax.fori_loop(0, n_chunks, chunk_body, 0)
        wait_out(n_chunks - 2)
        wait_out(n_chunks - 1)

    return pl.kernel(
        body,
        out_type=jax.ShapeDtypeStruct((n_tokens, HIDDEN), jnp.float32),
        mesh=mesh,
        compiler_params=pltpu.CompilerParams(needs_layout_passes=False),
        scratch_types=[
            pltpu.VMEM((3 * s1,), jnp.int32),
            pltpu.VMEM((3 * 80,), jnp.int32),
            pltpu.VMEM((3 * (seq_len + LANES),), jnp.int32),
            pltpu.VMEM((3, seq_len, HIDDEN), jnp.float32),
            pltpu.VMEM((2 * seq_len, HIDDEN), jnp.float32),
            pltpu.VMEM((2, HIDDEN), jnp.float32),
            pltpu.VMEM((HIDDEN,), jnp.float32),
            pltpu.VMEM((HIDDEN,), jnp.float32),
            pltpu.SemaphoreType.DMA,
            pltpu.SemaphoreType.DMA,
            pltpu.SemaphoreType.DMA,
        ],
    )


@jax.jit
def kernel(input_ids, token_type_ids, word_emb, pos_emb, type_emb, gamma,
           beta):
    b, l = input_ids.shape
    n = b * l
    nw = 32
    n_chunks = (n // nw) // l
    ids = input_ids.reshape(n).astype(jnp.int32)
    tt = token_type_ids.reshape(n).astype(jnp.int32)
    k = _make_sc_kernel(n, l, n_chunks)
    out = k(ids, tt, word_emb, pos_emb, type_emb, gamma, beta)
    return out.reshape(b, l, HIDDEN)

# --- scband reference (transcript-rebuilt; emitter-appended) ---
"""Pipeline reference for scband-bert-embeddings-9895604650720 (READ-ONLY COPY).

The authoritative reference and input builder live on the scoring server;
editing this copy changes nothing except your own understanding.
"""

import jax, jax.numpy as jnp
import numpy as np

VOCAB = 100000
HIDDEN = 128
MAX_POS = 512
TYPE_VOCAB = 2
B, L = 1024, 200
EPS = 1e-12

def setup_inputs(seed: int = 0) -> dict:
    key = jax.random.key(seed)
    k1, k2, k3, k4, k5, k6, k7 = jax.random.split(key, 7)
    input_ids = jax.random.randint(k1, (B, L), 0, VOCAB, dtype=jnp.int64) if jax.config.jax_enable_x64 else jax.random.randint(k1, (B, L), 0, VOCAB, dtype=jnp.int32)
    token_type_ids = jax.random.randint(k2, (B, L), 0, TYPE_VOCAB, dtype=input_ids.dtype)
    word_emb = jax.random.normal(k3, (VOCAB, HIDDEN), dtype=jnp.float32) * 0.02
    pos_emb = jax.random.normal(k4, (MAX_POS, HIDDEN), dtype=jnp.float32) * 0.02
    type_emb = jax.random.normal(k5, (TYPE_VOCAB, HIDDEN), dtype=jnp.float32) * 0.02
    gamma = jnp.ones((HIDDEN,), dtype=jnp.float32)
    beta = jnp.zeros((HIDDEN,), dtype=jnp.float32)
    return {"input_ids": input_ids, "token_type_ids": token_type_ids,
            "word_emb": word_emb, "pos_emb": pos_emb, "type_emb": type_emb,
            "gamma": gamma, "beta": beta}

def reference(input_ids, token_type_ids, word_emb, pos_emb, type_emb, gamma, beta):
    seq_length = input_ids.shape[1]
    position_ids = jnp.broadcast_to(jnp.arange(seq_length, dtype=input_ids.dtype)[None, :], input_ids.shape)
    words_embeddings = jnp.take(word_emb, input_ids, axis=0)
    position_embeddings = jnp.take(pos_emb, position_ids, axis=0)
    token_type_embeddings = jnp.take(type_emb, token_type_ids, axis=0)
    embeddings = words_embeddings + position_embeddings + token_type_embeddings
    # BertLayerNorm (fp32_layernorm/fp32_embedding/fp32_tokentypes all False; dropout p=0)
    u = jnp.mean(embeddings, axis=-1, keepdims=True)
    s = jnp.mean((embeddings - u) ** 2, axis=-1, keepdims=True)
    x = (embeddings - u) / jnp.sqrt(s + EPS)
    out = gamma * x + beta
    return out

if __name__ == "__main__":
    import jax
    _d = setup_inputs()
    print(jax.jit(kernel)(*tuple(_d.values())))

</pallas_src>

<mosaic_0001>
#map = affine_map<(d0, d1) -> (0)>
#map1 = affine_map<(d0, d1) -> (0, 0)>
module attributes {stable_mosaic.version = 14 : i64} {
  func.func @body(%arg0: i32, %arg1: i32, %arg2: memref<204800xi32, #tpu.memory_space<hbm>>, %arg3: memref<204800xi32, #tpu.memory_space<hbm>>, %arg4: memref<100000x128xf32, #tpu.memory_space<hbm>>, %arg5: memref<512x128xf32, #tpu.memory_space<hbm>>, %arg6: memref<2x128xf32, #tpu.memory_space<hbm>>, %arg7: memref<128xf32, #tpu.memory_space<hbm>>, %arg8: memref<128xf32, #tpu.memory_space<hbm>>, %arg9: memref<204800x128xf32, #tpu.memory_space<hbm>>, %arg10: memref<384xi32, #tpu.memory_space<vmem>>, %arg11: memref<240xi32, #tpu.memory_space<vmem>>, %arg12: memref<648xi32, #tpu.memory_space<vmem>>, %arg13: memref<3x200x128xf32, #tpu.memory_space<vmem>>, %arg14: memref<400x128xf32, #tpu.memory_space<vmem>>, %arg15: memref<2x128xf32, #tpu.memory_space<vmem>>, %arg16: memref<128xf32, #tpu.memory_space<vmem>>, %arg17: memref<128xf32, #tpu.memory_space<vmem>>, %arg18: memref<!tpu.dma_semaphore, #tpu.memory_space<semaphore_mem>>, %arg19: memref<!tpu.dma_semaphore, #tpu.memory_space<semaphore_mem>>, %arg20: memref<!tpu.dma_semaphore, #tpu.memory_space<semaphore_mem>>) attributes {dimension_semantics = [#tpu.dimension_semantics<core_parallel>, #tpu.dimension_semantics<subcore_parallel>], iteration_bounds = array<i64: 2, 16>, scalar_prefetch = 0 : i64, scratch_operands = 11 : i64, tpu.core_type = #tpu.core_type<sc_vector_subcore>, window_params = [{transform_indices = #map}, {transform_indices = #map}, {transform_indices = #map1}, {transform_indices = #map1}, {transform_indices = #map1}, {transform_indices = #map}, {transform_indices = #map}, {transform_indices = #map1}]} {
    %mul3A = arith.constant 2 : i32
    %mul3A_0 = arith.muli %arg1, %mul3A : i32
    %add3A = arith.addi %mul3A_0, %arg0 : i32
    %mul3A_1 = arith.constant 6400 : i32
    %mul3A_2 = arith.muli %add3A, %mul3A_1 : i32
    "tpu.region"() ({
      %run_scoped3A = tpu.sem_alloc : memref<!tpu.dma_semaphore, #tpu.memory_space<semaphore_mem>>
      %dma_start3A_237 = arith.constant 0 : i32
      %dma_start3A_238 = arith.constant 0 : i32
      %dma_start3A_239 = tpu.memref_slice %arg14[%dma_start3A_237, %dma_start3A_238] : memref<400x128xf32, #tpu.memory_space<vmem>> -> memref<200x128xf32, #tpu.memory_space<vmem>>
      %dma_start3A_240 = arith.constant 0 : i32
      %dma_start3A_241 = arith.constant 0 : i32
      %dma_start3A_242 = tpu.memref_slice %arg5[%dma_start3A_240, %dma_start3A_241] : memref<512x128xf32, #tpu.memory_space<hbm>> -> memref<200x128xf32, #tpu.memory_space<hbm>>
      %dma_start3A_243 = arith.constant 0 : i32
      %dma_start3A_244 = arith.constant 0 : i32
      %dma_start3A_245 = tpu.memref_slice %arg14[%dma_start3A_243, %dma_start3A_244] : memref<400x128xf32, #tpu.memory_space<vmem>> -> memref<200x128xf32, #tpu.memory_space<vmem>>
      %dma_start3A_246 = arith.constant 0 : i32
      %dma_start3A_247 = arith.constant 0 : i32
      %dma_start3A_248 = tpu.memref_slice %arg5[%dma_start3A_246, %dma_start3A_247] : memref<512x128xf32, #tpu.memory_space<hbm>> -> memref<200x128xf32, #tpu.memory_space<hbm>>
      tpu.enqueue_dma source(%dma_start3A_248 : memref<200x128xf32, #tpu.memory_space<hbm>>) target(%dma_start3A_245 : memref<200x128xf32, #tpu.memory_space<vmem>>) target_semaphore(%run_scoped3A : memref<!tpu.dma_semaphore, #tpu.memory_space<semaphore_mem>>)
      %dma_wait3A_249 = arith.constant 0 : i32
      %dma_wait3A_250 = arith.constant 0 : i32
      %dma_wait3A_251 = tpu.memref_slice %arg14[%dma_wait3A_249, %dma_wait3A_250] : memref<400x128xf32, #tpu.memory_space<vmem>> -> memref<200x128xf32, #tpu.memory_space<vmem>>
      %dma_wait3A_252 = arith.constant 0 : i32
      %dma_wait3A_253 = arith.constant 0 : i32
      %dma_wait3A_254 = tpu.memref_slice %arg5[%dma_wait3A_252, %dma_wait3A_253] : memref<512x128xf32, #tpu.memory_space<hbm>> -> memref<200x128xf32, #tpu.memory_space<hbm>>
      %dma_wait3A_255 = arith.constant 0 : i32
      %dma_wait3A_256 = arith.constant 0 : i32
      %dma_wait3A_257 = tpu.memref_slice %arg14[%dma_wait3A_255, %dma_wait3A_256] : memref<400x128xf32, #tpu.memory_space<vmem>> -> memref<200x128xf32, #tpu.memory_space<vmem>>
      %dma_wait3A_258 = arith.constant 0 : i32
      %dma_wait3A_259 = arith.constant 0 : i32
      %dma_wait3A_260 = tpu.memref_slice %arg5[%dma_wait3A_258, %dma_wait3A_259] : memref<512x128xf32, #tpu.memory_space<hbm>> -> memref<200x128xf32, #tpu.memory_space<hbm>>
      tpu.wait_dma2 semaphore(%run_scoped3A : memref<!tpu.dma_semaphore, #tpu.memory_space<semaphore_mem>>) src(%dma_wait3A_260 : memref<200x128xf32, #tpu.memory_space<hbm>>) dst(%dma_wait3A_257 : memref<200x128xf32, #tpu.memory_space<vmem>>)
      tpu.yield
    }) : () -> ()
    "tpu.region"() ({
      %run_scoped3A = tpu.sem_alloc : memref<!tpu.dma_semaphore, #tpu.memory_space<semaphore_mem>>
      %dma_start3A_237 = arith.constant 200 : i32
      %dma_start3A_238 = arith.constant 0 : i32
      %dma_start3A_239 = tpu.memref_slice %arg14[%dma_start3A_237, %dma_start3A_238] : memref<400x128xf32, #tpu.memory_space<vmem>> -> memref<200x128xf32, #tpu.memory_space<vmem>>
      %dma_start3A_240 = arith.constant 0 : i32
      %dma_start3A_241 = arith.constant 0 : i32
      %dma_start3A_242 = tpu.memref_slice %arg5[%dma_start3A_240, %dma_start3A_241] : memref<512x128xf32, #tpu.memory_space<hbm>> -> memref<200x128xf32, #tpu.memory_space<hbm>>
      %dma_start3A_243 = arith.constant 200 : i32
      %dma_start3A_244 = arith.constant 0 : i32
      %dma_start3A_245 = tpu.memref_slice %arg14[%dma_start3A_243, %dma_start3A_244] : memref<400x128xf32, #tpu.memory_space<vmem>> -> memref<200x128xf32, #tpu.memory_space<vmem>>
      %dma_start3A_246 = arith.constant 0 : i32
      %dma_start3A_247 = arith.constant 0 : i32
      %dma_start3A_248 = tpu.memref_slice %arg5[%dma_start3A_246, %dma_start3A_247] : memref<512x128xf32, #tpu.memory_space<hbm>> -> memref<200x128xf32, #tpu.memory_space<hbm>>
      tpu.enqueue_dma source(%dma_start3A_248 : memref<200x128xf32, #tpu.memory_space<hbm>>) target(%dma_start3A_245 : memref<200x128xf32, #tpu.memory_space<vmem>>) target_semaphore(%run_scoped3A : memref<!tpu.dma_semaphore, #tpu.memory_space<semaphore_mem>>)
      %dma_wait3A_249 = arith.constant 200 : i32
      %dma_wait3A_250 = arith.constant 0 : i32
      %dma_wait3A_251 = tpu.memref_slice %arg14[%dma_wait3A_249, %dma_wait3A_250] : memref<400x128xf32, #tpu.memory_space<vmem>> -> memref<200x128xf32, #tpu.memory_space<vmem>>
      %dma_wait3A_252 = arith.constant 0 : i32
      %dma_wait3A_253 = arith.constant 0 : i32
      %dma_wait3A_254 = tpu.memref_slice %arg5[%dma_wait3A_252, %dma_wait3A_253] : memref<512x128xf32, #tpu.memory_space<hbm>> -> memref<200x128xf32, #tpu.memory_space<hbm>>
      %dma_wait3A_255 = arith.constant 200 : i32
      %dma_wait3A_256 = arith.constant 0 : i32
      %dma_wait3A_257 = tpu.memref_slice %arg14[%dma_wait3A_255, %dma_wait3A_256] : memref<400x128xf32, #tpu.memory_space<vmem>> -> memref<200x128xf32, #tpu.memory_space<vmem>>
      %dma_wait3A_258 = arith.constant 0 : i32
      %dma_wait3A_259 = arith.constant 0 : i32
      %dma_wait3A_260 = tpu.memref_slice %arg5[%dma_wait3A_258, %dma_wait3A_259] : memref<512x128xf32, #tpu.memory_space<hbm>> -> memref<200x128xf32, #tpu.memory_space<hbm>>
      tpu.wait_dma2 semaphore(%run_scoped3A : memref<!tpu.dma_semaphore, #tpu.memory_space<semaphore_mem>>) src(%dma_wait3A_260 : memref<200x128xf32, #tpu.memory_space<hbm>>) dst(%dma_wait3A_257 : memref<200x128xf32, #tpu.memory_space<vmem>>)
      tpu.yield
    }) : () -> ()
    "tpu.region"() ({
      %run_scoped3A = tpu.sem_alloc : memref<!tpu.dma_semaphore, #tpu.memory_space<semaphore_mem>>
      tpu.enqueue_dma source(%arg6 : memref<2x128xf32, #tpu.memory_space<hbm>>) target(%arg15 : memref<2x128xf32, #tpu.memory_space<vmem>>) target_semaphore(%run_scoped3A : memref<!tpu.dma_semaphore, #tpu.memory_space<semaphore_mem>>)
      tpu.wait_dma2 semaphore(%run_scoped3A : memref<!tpu.dma_semaphore, #tpu.memory_space<semaphore_mem>>) src(%arg6 : memref<2x128xf32, #tpu.memory_space<hbm>>) dst(%arg15 : memref<2x128xf32, #tpu.memory_space<vmem>>)
      tpu.yield
    }) : () -> ()
    "tpu.region"() ({
      %run_scoped3A = tpu.sem_alloc : memref<!tpu.dma_semaphore, #tpu.memory_space<semaphore_mem>>
      tpu.enqueue_dma source(%arg7 : memref<128xf32, #tpu.memory_space<hbm>>) target(%arg16 : memref<128xf32, #tpu.memory_space<vmem>>) target_semaphore(%run_scoped3A : memref<!tpu.dma_semaphore, #tpu.memory_space<semaphore_mem>>)
      tpu.wait_dma2 semaphore(%run_scoped3A : memref<!tpu.dma_semaphore, #tpu.memory_space<semaphore_mem>>) src(%arg7 : memref<128xf32, #tpu.memory_space<hbm>>) dst(%arg16 : memref<128xf32, #tpu.memory_space<vmem>>)
      tpu.yield
    }) : () -> ()
    "tpu.region"() ({
      %run_scoped3A = tpu.sem_alloc : memref<!tpu.dma_semaphore, #tpu.memory_space<semaphore_mem>>
      tpu.enqueue_dma source(%arg8 : memref<128xf32, #tpu.memory_space<hbm>>) target(%arg17 : memref<128xf32, #tpu.memory_space<vmem>>) target_semaphore(%run_scoped3A : memref<!tpu.dma_semaphore, #tpu.memory_space<semaphore_mem>>)
      tpu.wait_dma2 semaphore(%run_scoped3A : memref<!tpu.dma_semaphore, #tpu.memory_space<semaphore_mem>>) src(%arg8 : memref<128xf32, #tpu.memory_space<hbm>>) dst(%arg17 : memref<128xf32, #tpu.memory_space<vmem>>)
      tpu.yield
    }) : () -> ()
    %get3A = arith.constant 0 : i32
    %get3A_3 = arith.index_cast %get3A : i32 to index
    %get3A_4 = arith.constant 0 : index
    %get3A_5 = tpu.vector_load %arg15[%get3A_3, %get3A_4] {strides = array<i32>} : memref<2x128xf32, #tpu.memory_space<vmem>>, vector<16xf32>,
    %get3A_6 = arith.constant 0 : i32
    %get3A_7 = arith.index_cast %get3A_6 : i32 to index
    %get3A_8 = arith.constant 16 : index
    %get3A_9 = tpu.vector_load %arg15[%get3A_7, %get3A_8] {strides = array<i32>} : memref<2x128xf32, #tpu.memory_space<vmem>>, vector<16xf32>,
    %get3A_10 = arith.constant 0 : i32
    %get3A_11 = arith.index_cast %get3A_10 : i32 to index
    %get3A_12 = arith.constant 32 : index
    %get3A_13 = tpu.vector_load %arg15[%get3A_11, %get3A_12] {strides = array<i32>} : memref<2x128xf32, #tpu.memory_space<vmem>>, vector<16xf32>,
    %get3A_14 = arith.constant 0 : i32
    %get3A_15 = arith.index_cast %get3A_14 : i32 to index
    %get3A_16 = arith.constant 48 : index
    %get3A_17 = tpu.vector_load %arg15[%get3A_15, %get3A_16] {strides = array<i32>} : memref<2x128xf32, #tpu.memory_space<vmem>>, vector<16xf32>,
    %get3A_18 = arith.constant 0 : i32
    %get3A_19 = arith.index_cast %get3A_18 : i32 to index
    %get3A_20 = arith.constant 64 : index
    %get3A_21 = tpu.vector_load %arg15[%get3A_19, %get3A_20] {strides = array<i32>} : memref<2x128xf32, #tpu.memory_space<vmem>>, vector<16xf32>,
    %get3A_22 = arith.constant 0 : i32
    %get3A_23 = arith.index_cast %get3A_22 : i32 to index
    %get3A_24 = arith.constant 80 : index
    %get3A_25 = tpu.vector_load %arg15[%get3A_23, %get3A_24] {strides = array<i32>} : memref<2x128xf32, #tpu.memory_space<vmem>>, vector<16xf32>,
    %get3A_26 = arith.constant 0 : i32
    %get3A_27 = arith.index_cast %get3A_26 : i32 to index
    %get3A_28 = arith.constant 96 : index
    %get3A_29 = tpu.vector_load %arg15[%get3A_27, %get3A_28] {strides = array<i32>} : memref<2x128xf32, #tpu.memory_space<vmem>>, vector<16xf32>,
    %get3A_30 = arith.constant 0 : i32
    %get3A_31 = arith.index_cast %get3A_30 : i32 to index
    %get3A_32 = arith.constant 112 : index
    %get3A_33 = tpu.vector_load %arg15[%get3A_31, %get3A_32] {strides = array<i32>} : memref<2x128xf32, #tpu.memory_space<vmem>>, vector<16xf32>,
    %get3A_34 = arith.constant 1 : i32
    %get3A_35 = arith.index_cast %get3A_34 : i32 to index
    %get3A_36 = arith.constant 0 : index
    %get3A_37 = tpu.vector_load %arg15[%get3A_35, %get3A_36] {strides = array<i32>} : memref<2x128xf32, #tpu.memory_space<vmem>>, vector<16xf32>,
    %get3A_38 = arith.constant 1 : i32
    %get3A_39 = arith.index_cast %get3A_38 : i32 to index
    %get3A_40 = arith.constant 16 : index
    %get3A_41 = tpu.vector_load %arg15[%get3A_39, %get3A_40] {strides = array<i32>} : memref<2x128xf32, #tpu.memory_space<vmem>>, vector<16xf32>,
    %get3A_42 = arith.constant 1 : i32
    %get3A_43 = arith.index_cast %get3A_42 : i32 to index
    %get3A_44 = arith.constant 32 : index
    %get3A_45 = tpu.vector_load %arg15[%get3A_43, %get3A_44] {strides = array<i32>} : memref<2x128xf32, #tpu.memory_space<vmem>>, vector<16xf32>,
    %get3A_46 = arith.constant 1 : i32
    %get3A_47 = arith.index_cast %get3A_46 : i32 to index
    %get3A_48 = arith.constant 48 : index
    %get3A_49 = tpu.vector_load %arg15[%get3A_47, %get3A_48] {strides = array<i32>} : memref<2x128xf32, #tpu.memory_space<vmem>>, vector<16xf32>,
    %get3A_50 = arith.constant 1 : i32
    %get3A_51 = arith.index_cast %get3A_50 : i32 to index
    %get3A_52 = arith.constant 64 : index
    %get3A_53 = tpu.vector_load %arg15[%get3A_51, %get3A_52] {strides = array<i32>} : memref<2x128xf32, #tpu.memory_space<vmem>>, vector<16xf32>,
    %get3A_54 = arith.constant 1 : i32
    %get3A_55 = arith.index_cast %get3A_54 : i32 to index
    %get3A_56 = arith.constant 80 : index
    %get3A_57 = tpu.vector_load %arg15[%get3A_55, %get3A_56] {strides = array<i32>} : memref<2x128xf32, #tpu.memory_space<vmem>>, vector<16xf32>,
    %get3A_58 = arith.constant 1 : i32
    %get3A_59 = arith.index_cast %get3A_58 : i32 to index
    %get3A_60 = arith.constant 96 : index
    %get3A_61 = tpu.vector_load %arg15[%get3A_59, %get3A_60] {strides = array<i32>} : memref<2x128xf32, #tpu.memory_space<vmem>>, vector<16xf32>,
    %get3A_62 = arith.constant 1 : i32
    %get3A_63 = arith.index_cast %get3A_62 : i32 to index
    %get3A_64 = arith.constant 112 : index
    %get3A_65 = tpu.vector_load %arg15[%get3A_63, %get3A_64] {strides = array<i32>} : memref<2x128xf32, #tpu.memory_space<vmem>>, vector<16xf32>,
    %get3A_66 = arith.constant 0 : index
    %get3A_67 = tpu.vector_load %arg16[%get3A_66] {strides = array<i32>} : memref<128xf32, #tpu.memory_space<vmem>>, vector<16xf32>,
    %get3A_68 = arith.constant 16 : index
    %get3A_69 = tpu.vector_load %arg16[%get3A_68] {strides = array<i32>} : memref<128xf32, #tpu.memory_space<vmem>>, vector<16xf32>,
    %get3A_70 = arith.constant 32 : index
    %get3A_71 = tpu.vector_load %arg16[%get3A_70] {strides = array<i32>} : memref<128xf32, #tpu.memory_space<vmem>>, vector<16xf32>,
    %get3A_72 = arith.constant 48 : index
    %get3A_73 = tpu.vector_load %arg16[%get3A_72] {strides = array<i32>} : memref<128xf32, #tpu.memory_space<vmem>>, vector<16xf32>,
    %get3A_74 = arith.constant 64 : index
    %get3A_75 = tpu.vector_load %arg16[%get3A_74] {strides = array<i32>} : memref<128xf32, #tpu.memory_space<vmem>>, vector<16xf32>,
    %get3A_76 = arith.constant 80 : index
    %get3A_77 = tpu.vector_load %arg16[%get3A_76] {strides = array<i32>} : memref<128xf32, #tpu.memory_space<vmem>>, vector<16xf32>,
    %get3A_78 = arith.constant 96 : index
    %get3A_79 = tpu.vector_load %arg16[%get3A_78] {strides = array<i32>} : memref<128xf32, #tpu.memory_space<vmem>>, vector<16xf32>,
    %get3A_80 = arith.constant 112 : index
    %get3A_81 = tpu.vector_load %arg16[%get3A_80] {strides = array<i32>} : memref<128xf32, #tpu.memory_space<vmem>>, vector<16xf32>,
    %get3A_82 = arith.constant 0 : index
    %get3A_83 = tpu.vector_load %arg17[%get3A_82] {strides = array<i32>} : memref<128xf32, #tpu.memory_space<vmem>>, vector<16xf32>,
    %get3A_84 = arith.constant 16 : index
    %get3A_85 = tpu.vector_load %arg17[%get3A_84] {strides = array<i32>} : memref<128xf32, #tpu.memory_space<vmem>>, vector<16xf32>,
    %get3A_86 = arith.constant 32 : index
    %get3A_87 = tpu.vector_load %arg17[%get3A_86] {strides = array<i32>} : memref<128xf32, #tpu.memory_space<vmem>>, vector<16xf32>,
    %get3A_88 = arith.constant 48 : index
    %get3A_89 = tpu.vector_load %arg17[%get3A_88] {strides = array<i32>} : memref<128xf32, #tpu.memory_space<vmem>>, vector<16xf32>,
    %get3A_90 = arith.constant 64 : index
    %get3A_91 = tpu.vector_load %arg17[%get3A_90] {strides = array<i32>} : memref<128xf32, #tpu.memory_space<vmem>>, vector<16xf32>,
    %get3A_92 = arith.constant 80 : index
    %get3A_93 = tpu.vector_load %arg17[%get3A_92] {strides = array<i32>} : memref<128xf32, #tpu.memory_space<vmem>>, vector<16xf32>,
    %get3A_94 = arith.constant 96 : index
    %get3A_95 = tpu.vector_load %arg17[%get3A_94] {strides = array<i32>} : memref<128xf32, #tpu.memory_space<vmem>>, vector<16xf32>,
    %get3A_96 = arith.constant 112 : index
    %get3A_97 = tpu.vector_load %arg17[%get3A_96] {strides = array<i32>} : memref<128xf32, #tpu.memory_space<vmem>>, vector<16xf32>,
    %add3A_98 = arith.constant 0 : i32
    %add3A_99 = arith.addi %mul3A_2, %add3A_98 : i32
    %rem3A = arith.constant 0 : i32
    %rem3A_100 = arith.constant 3 : i32
    %rem3A_101 = arith.remsi %rem3A, %rem3A_100 : i32
    %mul3A_102 = arith.constant 128 : i32
    %mul3A_103 = arith.muli %rem3A_101, %mul3A_102 : i32
    %dma_start3A = tpu.memref_slice %arg10[%mul3A_103] : memref<384xi32, #tpu.memory_space<vmem>> -> memref<128xi32, #tpu.memory_space<vmem>>
    %dma_start3A_104 = tpu.memref_slice %arg2[%add3A_99] : memref<204800xi32, #tpu.memory_space<hbm>> -> memref<128xi32, #tpu.memory_space<hbm>>
    %dma_start3A_105 = tpu.memref_slice %arg10[%mul3A_103] : memref<384xi32, #tpu.memory_space<vmem>> -> memref<128xi32, #tpu.memory_space<vmem>>
    %dma_start3A_106 = tpu.memref_slice %arg2[%add3A_99] : memref<204800xi32, #tpu.memory_space<hbm>> -> memref<128xi32, #tpu.memory_space<hbm>>
    tpu.enqueue_dma source(%dma_start3A_106 : memref<128xi32, #tpu.memory_space<hbm>>) target(%dma_start3A_105 : memref<128xi32, #tpu.memory_space<vmem>>) target_semaphore(%arg20 : memref<!tpu.dma_semaphore, #tpu.memory_space<semaphore_mem>>)
    %add3A_107 = arith.constant 128 : i32
    %add3A_108 = arith.addi %add3A_99, %add3A_107 : i32
    %mul3A_109 = arith.constant 80 : i32
    %mul3A_110 = arith.muli %rem3A_101, %mul3A_109 : i32
    %dma_start3A_111 = tpu.memref_slice %arg11[%mul3A_110] : memref<240xi32, #tpu.memory_space<vmem>> -> memref<72xi32, #tpu.memory_space<vmem>>
    %dma_start3A_112 = tpu.memref_slice %arg2[%add3A_108] : memref<204800xi32, #tpu.memory_space<hbm>> -> memref<72xi32, #tpu.memory_space<hbm>>
    %dma_start3A_113 = tpu.memref_slice %arg11[%mul3A_110] : memref<240xi32, #tpu.memory_space<vmem>> -> memref<72xi32, #tpu.memory_space<vmem>>
    %dma_start3A_114 = tpu.memref_slice %arg2[%add3A_108] : memref<204800xi32, #tpu.memory_space<hbm>> -> memref<72xi32, #tpu.memory_space<hbm>>
    tpu.enqueue_dma source(%dma_start3A_114 : memref<72xi32, #tpu.memory_space<hbm>>) target(%dma_start3A_113 : memref<72xi32, #tpu.memory_space<vmem>>) target_semaphore(%arg20 : memref<!tpu.dma_semaphore, #tpu.memory_space<semaphore_mem>>)
    %mul3A_115 = arith.constant 216 : i32
    %mul3A_116 = arith.muli %rem3A_101, %mul3A_115 : i32
    %dma_start3A_117 = tpu.memref_slice %arg12[%mul3A_116] : memref<648xi32, #tpu.memory_space<vmem>> -> memref<200xi32, #tpu.memory_space<vmem>>
    %dma_start3A_118 = tpu.memref_slice %arg3[%add3A_99] : memref<204800xi32, #tpu.memory_space<hbm>> -> memref<200xi32, #tpu.memory_space<hbm>>
    %dma_start3A_119 = tpu.memref_slice %arg12[%mul3A_116] : memref<648xi32, #tpu.memory_space<vmem>> -> memref<200xi32, #tpu.memory_space<vmem>>
    %dma_start3A_120 = tpu.memref_slice %arg3[%add3A_99] : memref<204800xi32, #tpu.memory_space<hbm>> -> memref<200xi32, #tpu.memory_space<hbm>>
    tpu.enqueue_dma source(%dma_start3A_120 : memref<200xi32, #tpu.memory_space<hbm>>) target(%dma_start3A_119 : memref<200xi32, #tpu.memory_space<vmem>>) target_semaphore(%arg20 : memref<!tpu.dma_semaphore, #tpu.memory_space<semaphore_mem>>)
    %add3A_121 = arith.constant 200 : i32
    %add3A_122 = arith.addi %mul3A_2, %add3A_121 : i32
    %rem3A_123 = arith.constant 1 : i32
    %rem3A_124 = arith.constant 3 : i32
    %rem3A_125 = arith.remsi %rem3A_123, %rem3A_124 : i32
    %mul3A_126 = arith.constant 128 : i32
    %mul3A_127 = arith.muli %rem3A_125, %mul3A_126 : i32
    %dma_start3A_128 = tpu.memref_slice %arg10[%mul3A_127] : memref<384xi32, #tpu.memory_space<vmem>> -> memref<128xi32, #tpu.memory_space<vmem>>
    %dma_start3A_129 = tpu.memref_slice %arg2[%add3A_122] : memref<204800xi32, #tpu.memory_space<hbm>> -> memref<128xi32, #tpu.memory_space<hbm>>
    %dma_start3A_130 = tpu.memref_slice %arg10[%mul3A_127] : memref<384xi32, #tpu.memory_space<vmem>> -> memref<128xi32, #tpu.memory_space<vmem>>
    %dma_start3A_131 = tpu.memref_slice %arg2[%add3A_122] : memref<204800xi32, #tpu.memory_space<hbm>> -> memref<128xi32, #tpu.memory_space<hbm>>
    tpu.enqueue_dma source(%dma_start3A_131 : memref<128xi32, #tpu.memory_space<hbm>>) target(%dma_start3A_130 : memref<128xi32, #tpu.memory_space<vmem>>) target_semaphore(%arg20 : memref<!tpu.dma_semaphore, #tpu.memory_space<semaphore_mem>>)
    %add3A_132 = arith.constant 128 : i32
    %add3A_133 = arith.addi %add3A_122, %add3A_132 : i32
    %mul3A_134 = arith.constant 80 : i32
    %mul3A_135 = arith.muli %rem3A_125, %mul3A_134 : i32
    %dma_start3A_136 = tpu.memref_slice %arg11[%mul3A_135] : memref<240xi32, #tpu.memory_space<vmem>> -> memref<72xi32, #tpu.memory_space<vmem>>
    %dma_start3A_137 = tpu.memref_slice %arg2[%add3A_133] : memref<204800xi32, #tpu.memory_space<hbm>> -> memref<72xi32, #tpu.memory_space<hbm>>
    %dma_start3A_138 = tpu.memref_slice %arg11[%mul3A_135] : memref<240xi32, #tpu.memory_space<vmem>> -> memref<72xi32, #tpu.memory_space<vmem>>
    %dma_start3A_139 = tpu.memref_slice %arg2[%add3A_133] : memref<204800xi32, #tpu.memory_space<hbm>> -> memref<72xi32, #tpu.memory_space<hbm>>
    tpu.enqueue_dma source(%dma_start3A_139 : memref<72xi32, #tpu.memory_space<hbm>>) target(%dma_start3A_138 : memref<72xi32, #tpu.memory_space<vmem>>) target_semaphore(%arg20 : memref<!tpu.dma_semaphore, #tpu.memory_space<semaphore_mem>>)
    %mul3A_140 = arith.constant 216 : i32
    %mul3A_141 = arith.muli %rem3A_125, %mul3A_140 : i32
    %dma_start3A_142 = tpu.memref_slice %arg12[%mul3A_141] : memref<648xi32, #tpu.memory_space<vmem>> -> memref<200xi32, #tpu.memory_space<vmem>>
    %dma_start3A_143 = tpu.memref_slice %arg3[%add3A_122] : memref<204800xi32, #tpu.memory_space<hbm>> -> memref<200xi32, #tpu.memory_space<hbm>>
    %dma_start3A_144 = tpu.memref_slice %arg12[%mul3A_141] : memref<648xi32, #tpu.memory_space<vmem>> -> memref<200xi32, #tpu.memory_space<vmem>>
    %dma_start3A_145 = tpu.memref_slice %arg3[%add3A_122] : memref<204800xi32, #tpu.memory_space<hbm>> -> memref<200xi32, #tpu.memory_space<hbm>>
    tpu.enqueue_dma source(%dma_start3A_145 : memref<200xi32, #tpu.memory_space<hbm>>) target(%dma_start3A_144 : memref<200xi32, #tpu.memory_space<vmem>>) target_semaphore(%arg20 : memref<!tpu.dma_semaphore, #tpu.memory_space<semaphore_mem>>)
    %add3A_146 = arith.constant 0 : i32
    %add3A_147 = arith.addi %mul3A_2, %add3A_146 : i32
    %rem3A_148 = arith.constant 0 : i32
    %rem3A_149 = arith.constant 3 : i32
    %rem3A_150 = arith.remsi %rem3A_148, %rem3A_149 : i32
    %mul3A_151 = arith.constant 128 : i32
    %mul3A_152 = arith.muli %rem3A_150, %mul3A_151 : i32
    %dma_wait3A = tpu.memref_slice %arg10[%mul3A_152] : memref<384xi32, #tpu.memory_space<vmem>> -> memref<128xi32, #tpu.memory_space<vmem>>
    %dma_wait3A_153 = tpu.memref_slice %arg2[%add3A_147] : memref<204800xi32, #tpu.memory_space<hbm>> -> memref<128xi32, #tpu.memory_space<hbm>>
    %dma_wait3A_154 = tpu.memref_slice %arg10[%mul3A_152] : memref<384xi32, #tpu.memory_space<vmem>> -> memref<128xi32, #tpu.memory_space<vmem>>
    %dma_wait3A_155 = tpu.memref_slice %arg2[%add3A_147] : memref<204800xi32, #tpu.memory_space<hbm>> -> memref<128xi32, #tpu.memory_space<hbm>>
    tpu.wait_dma2 semaphore(%arg20 : memref<!tpu.dma_semaphore, #tpu.memory_space<semaphore_mem>>) src(%dma_wait3A_155 : memref<128xi32, #tpu.memory_space<hbm>>) dst(%dma_wait3A_154 : memref<128xi32, #tpu.memory_space<vmem>>)
    %add3A_156 = arith.constant 128 : i32
    %add3A_157 = arith.addi %add3A_147, %add3A_156 : i32
    %mul3A_158 = arith.constant 80 : i32
    %mul3A_159 = arith.muli %rem3A_150, %mul3A_158 : i32
    %dma_wait3A_160 = tpu.memref_slice %arg11[%mul3A_159] : memref<240xi32, #tpu.memory_space<vmem>> -> memref<72xi32, #tpu.memory_space<vmem>>
    %dma_wait3A_161 = tpu.memref_slice %arg2[%add3A_157] : memref<204800xi32, #tpu.memory_space<hbm>> -> memref<72xi32, #tpu.memory_space<hbm>>
    %dma_wait3A_162 = tpu.memref_slice %arg11[%mul3A_159] : memref<240xi32, #tpu.memory_space<vmem>> -> memref<72xi32, #tpu.memory_space<vmem>>
    %dma_wait3A_163 = tpu.memref_slice %arg2[%add3A_157] : memref<204800xi32, #tpu.memory_space<hbm>> -> memref<72xi32, #tpu.memory_space<hbm>>
    tpu.wait_dma2 semaphore(%arg20 : memref<!tpu.dma_semaphore, #tpu.memory_space<semaphore_mem>>) src(%dma_wait3A_163 : memref<72xi32, #tpu.memory_space<hbm>>) dst(%dma_wait3A_162 : memref<72xi32, #tpu.memory_space<vmem>>)
    %mul3A_164 = arith.constant 216 : i32
    %mul3A_165 = arith.muli %rem3A_150, %mul3A_164 : i32
    %dma_wait3A_166 = tpu.memref_slice %arg12[%mul3A_165] : memref<648xi32, #tpu.memory_space<vmem>> -> memref<200xi32, #tpu.memory_space<vmem>>
    %dma_wait3A_167 = tpu.memref_slice %arg3[%add3A_147] : memref<204800xi32, #tpu.memory_space<hbm>> -> memref<200xi32, #tpu.memory_space<hbm>>
    %dma_wait3A_168 = tpu.memref_slice %arg12[%mul3A_165] : memref<648xi32, #tpu.memory_space<vmem>> -> memref<200xi32, #tpu.memory_space<vmem>>
    %dma_wait3A_169 = tpu.memref_slice %arg3[%add3A_147] : memref<204800xi32, #tpu.memory_space<hbm>> -> memref<200xi32, #tpu.memory_space<hbm>>
    tpu.wait_dma2 semaphore(%arg20 : memref<!tpu.dma_semaphore, #tpu.memory_space<semaphore_mem>>) src(%dma_wait3A_169 : memref<200xi32, #tpu.memory_space<hbm>>) dst(%dma_wait3A_168 : memref<200xi32, #tpu.memory_space<vmem>>)
    %rem3A_170 = arith.constant 0 : i32
    %rem3A_171 = arith.constant 3 : i32
    %rem3A_172 = arith.remsi %rem3A_170, %rem3A_171 : i32
    %rem3A_173 = arith.constant 0 : i32
    %rem3A_174 = arith.constant 3 : i32
    %rem3A_175 = arith.remsi %rem3A_173, %rem3A_174 : i32
    %mul3A_176 = arith.constant 128 : i32
    %mul3A_177 = arith.muli %rem3A_172, %mul3A_176 : i32
    %dma_start3A_178 = arith.constant 0 : i32
    %dma_start3A_179 = arith.constant 0 : i32
    %dma_start3A_180 = tpu.memref_slice %arg13[%rem3A_175, %dma_start3A_178, %dma_start3A_179] : memref<3x200x128xf32, #tpu.memory_space<vmem>> -> memref<1x128x128xf32, #tpu.memory_space<vmem>>
    %dma_start3A_181 = tpu.memref_squeeze %dma_start3A_180 : memref<1x128x128xf32, #tpu.memory_space<vmem>> -> memref<128x128xf32, #tpu.memory_space<vmem>>
    %dma_start3A_182 = tpu.memref_slice %arg10[%mul3A_177] : memref<384xi32, #tpu.memory_space<vmem>> -> memref<128xi32, #tpu.memory_space<vmem>>
    %dma_start3A_183 = arith.constant 0 : i32
    %dma_start3A_184 = arith.constant 0 : i32
    %dma_start3A_185 = tpu.memref_slice %arg4[%dma_start3A_183, %dma_start3A_184] : memref<100000x128xf32, #tpu.memory_space<hbm>> -> memref<100000x128xf32, #tpu.memory_space<hbm>>
    tpu.enqueue_indirect_dma source(%dma_start3A_185 : memref<100000x128xf32, #tpu.memory_space<hbm>>) target(%dma_start3A_181 : memref<128x128xf32, #tpu.memory_space<vmem>>) offsets(%dma_start3A_182 : memref<128xi32, #tpu.memory_space<vmem>>) semaphore(%arg18 : memref<!tpu.dma_semaphore, #tpu.memory_space<semaphore_mem>>)
    %mul3A_186 = arith.constant 80 : i32
    %mul3A_187 = arith.muli %rem3A_172, %mul3A_186 : i32
    %dma_start3A_188 = arith.constant 128 : i32
    %dma_start3A_189 = arith.constant 0 : i32
    %dma_start3A_190 = tpu.memref_slice %arg13[%rem3A_175, %dma_start3A_188, %dma_start3A_189] : memref<3x200x128xf32, #tpu.memory_space<vmem>> -> memref<1x72x128xf32, #tpu.memory_space<vmem>>
    %dma_start3A_191 = tpu.memref_squeeze %dma_start3A_190 : memref<1x72x128xf32, #tpu.memory_space<vmem>> -> memref<72x128xf32, #tpu.memory_space<vmem>>
    %dma_start3A_192 = tpu.memref_slice %arg11[%mul3A_187] : memref<240xi32, #tpu.memory_space<vmem>> -> memref<72xi32, #tpu.memory_space<vmem>>
    %dma_start3A_193 = arith.constant 0 : i32
    %dma_start3A_194 = arith.constant 0 : i32
    %dma_start3A_195 = tpu.memref_slice %arg4[%dma_start3A_193, %dma_start3A_194] : memref<100000x128xf32, #tpu.memory_space<hbm>> -> memref<100000x128xf32, #tpu.memory_space<hbm>>
    tpu.enqueue_indirect_dma source(%dma_start3A_195 : memref<100000x128xf32, #tpu.memory_space<hbm>>) target(%dma_start3A_191 : memref<72x128xf32, #tpu.memory_space<vmem>>) offsets(%dma_start3A_192 : memref<72xi32, #tpu.memory_space<vmem>>) semaphore(%arg18 : memref<!tpu.dma_semaphore, #tpu.memory_space<semaphore_mem>>)
    %parallel_loop3A = arith.constant 0 : i32
    %parallel_loop3A_196 = arith.constant 200 : i32
    %parallel_loop3A_197 = arith.constant 1 : i32
    scf.for %parallel_loop3A_237 = %parallel_loop3A to %parallel_loop3A_196 step %parallel_loop3A_197  : i32 {
      %parallel_loop3A_238 = arith.index_cast %parallel_loop3A_237 : i32 to index
      %parallel_loop3A_239 = arith.constant 0 : index
      %parallel_loop3A_240 = tpu.vector_load %arg14[%parallel_loop3A_238, %parallel_loop3A_239] {strides = array<i32>} : memref<400x128xf32, #tpu.memory_space<vmem>>, vector<16xf32>,
      %parallel_loop3A_241 = arith.addf %parallel_loop3A_240, %get3A_5 : vector<16xf32>
      %parallel_loop3A_242 = arith.index_cast %parallel_loop3A_237 : i32 to index
      %parallel_loop3A_243 = arith.constant 0 : index
      %parallel_loop3A_244 = tpu.vector_load %arg14[%parallel_loop3A_242, %parallel_loop3A_243] {strides = array<i32>} : memref<400x128xf32, #tpu.memory_space<vmem>>, vector<16xf32>,
      tpu.vector_store %arg14[%parallel_loop3A_242, %parallel_loop3A_243], %parallel_loop3A_241 {strides = array<i32>} : memref<400x128xf32, #tpu.memory_space<vmem>>, vector<16xf32>,
      %parallel_loop3A_245 = arith.index_cast %parallel_loop3A_237 : i32 to index
      %parallel_loop3A_246 = arith.constant 16 : index
      %parallel_loop3A_247 = tpu.vector_load %arg14[%parallel_loop3A_245, %parallel_loop3A_246] {strides = array<i32>} : memref<400x128xf32, #tpu.memory_space<vmem>>, vector<16xf32>,
      %parallel_loop3A_248 = arith.addf %parallel_loop3A_247, %get3A_9 : vector<16xf32>
      %parallel_loop3A_249 = arith.index_cast %parallel_loop3A_237 : i32 to index
      %parallel_loop3A_250 = arith.constant 16 : index
      %parallel_loop3A_251 = tpu.vector_load %arg14[%parallel_loop3A_249, %parallel_loop3A_250] {strides = array<i32>} : memref<400x128xf32, #tpu.memory_space<vmem>>, vector<16xf32>,
      tpu.vector_store %arg14[%parallel_loop3A_249, %parallel_loop3A_250], %parallel_loop3A_248 {strides = array<i32>} : memref<400x128xf32, #tpu.memory_space<vmem>>, vector<16xf32>,
      %parallel_loop3A_252 = arith.index_cast %parallel_loop3A_237 : i32 to index
      %parallel_loop3A_253 = arith.constant 32 : index
      %parallel_loop3A_254 = tpu.vector_load %arg14[%parallel_loop3A_252, %parallel_loop3A_253] {strides = array<i32>} : memref<400x128xf32, #tpu.memory_space<vmem>>, vector<16xf32>,
      %parallel_loop3A_255 = arith.addf %parallel_loop3A_254, %get3A_13 : vector<16xf32>
      %parallel_loop3A_256 = arith.index_cast %parallel_loop3A_237 : i32 to index
      %parallel_loop3A_257 = arith.constant 32 : index
      %parallel_loop3A_258 = tpu.vector_load %arg14[%parallel_loop3A_256, %parallel_loop3A_257] {strides = array<i32>} : memref<400x128xf32, #tpu.memory_space<vmem>>, vector<16xf32>,
      tpu.vector_store %arg14[%parallel_loop3A_256, %parallel_loop3A_257], %parallel_loop3A_255 {strides = array<i32>} : memref<400x128xf32, #tpu.memory_space<vmem>>, vector<16xf32>,
      %parallel_loop3A_259 = arith.index_cast %parallel_loop3A_237 : i32 to index
      %parallel_loop3A_260 = arith.constant 48 : index
      %parallel_loop3A_261 = tpu.vector_load %arg14[%parallel_loop3A_259, %parallel_loop3A_260] {strides = array<i32>} : memref<400x128xf32, #tpu.memory_space<vmem>>, vector<16xf32>,
      %parallel_loop3A_262 = arith.addf %parallel_loop3A_261, %get3A_17 : vector<16xf32>
      %parallel_loop3A_263 = arith.index_cast %parallel_loop3A_237 : i32 to index
      %parallel_loop3A_264 = arith.constant 48 : index
      %parallel_loop3A_265 = tpu.vector_load %arg14[%parallel_loop3A_263, %parallel_loop3A_264] {strides = array<i32>} : memref<400x128xf32, #tpu.memory_space<vmem>>, vector<16xf32>,
      tpu.vector_store %arg14[%parallel_loop3A_263, %parallel_loop3A_264], %parallel_loop3A_262 {strides = array<i32>} : memref<400x128xf32, #tpu.memory_space<vmem>>, vector<16xf32>,
      %parallel_loop3A_266 = arith.index_cast %parallel_loop3A_237 : i32 to index
      %parallel_loop3A_267 = arith.constant 64 : index
      %parallel_loop3A_268 = tpu.vector_load %arg14[%parallel_loop3A_266, %parallel_loop3A_267] {strides = array<i32>} : memref<400x128xf32, #tpu.memory_space<vmem>>, vector<16xf32>,
      %parallel_loop3A_269 = arith.addf %parallel_loop3A_268, %get3A_21 : vector<16xf32>
      %parallel_loop3A_270 = arith.index_cast %parallel_loop3A_237 : i32 to index
      %parallel_loop3A_271 = arith.constant 64 : index
      %parallel_loop3A_272 = tpu.vector_load %arg14[%parallel_loop3A_270, %parallel_loop3A_271] {strides = array<i32>} : memref<400x128xf32, #tpu.memory_space<vmem>>, vector<16xf32>,
      tpu.vector_store %arg14[%parallel_loop3A_270, %parallel_loop3A_271], %parallel_loop3A_269 {strides = array<i32>} : memref<400x128xf32, #tpu.memory_space<vmem>>, vector<16xf32>,
      %parallel_loop3A_273 = arith.index_cast %parallel_loop3A_237 : i32 to index
      %parallel_loop3A_274 = arith.constant 80 : index
      %parallel_loop3A_275 = tpu.vector_load %arg14[%parallel_loop3A_273, %parallel_loop3A_274] {strides = array<i32>} : memref<400x128xf32, #tpu.memory_space<vmem>>, vector<16xf32>,
      %parallel_loop3A_276 = arith.addf %parallel_loop3A_275, %get3A_25 : vector<16xf32>
      %parallel_loop3A_277 = arith.index_cast %parallel_loop3A_237 : i32 to index
      %parallel_loop3A_278 = arith.constant 80 : index
      %parallel_loop3A_279 = tpu.vector_load %arg14[%parallel_loop3A_277, %parallel_loop3A_278] {strides = array<i32>} : memref<400x128xf32, #tpu.memory_space<vmem>>, vector<16xf32>,
      tpu.vector_store %arg14[%parallel_loop3A_277, %parallel_loop3A_278], %parallel_loop3A_276 {strides = array<i32>} : memref<400x128xf32, #tpu.memory_space<vmem>>, vector<16xf32>,
      %parallel_loop3A_280 = arith.index_cast %parallel_loop3A_237 : i32 to index
      %parallel_loop3A_281 = arith.constant 96 : index
      %parallel_loop3A_282 = tpu.vector_load %arg14[%parallel_loop3A_280, %parallel_loop3A_281] {strides = array<i32>} : memref<400x128xf32, #tpu.memory_space<vmem>>, vector<16xf32>,
      %parallel_loop3A_283 = arith.addf %parallel_loop3A_282, %get3A_29 : vector<16xf32>
      %parallel_loop3A_284 = arith.index_cast %parallel_loop3A_237 : i32 to index
      %parallel_loop3A_285 = arith.constant 96 : index
      %parallel_loop3A_286 = tpu.vector_load %arg14[%parallel_loop3A_284, %parallel_loop3A_285] {strides = array<i32>} : memref<400x128xf32, #tpu.memory_space<vmem>>, vector<16xf32>,
      tpu.vector_store %arg14[%parallel_loop3A_284, %parallel_loop3A_285], %parallel_loop3A_283 {strides = array<i32>} : memref<400x128xf32, #tpu.memory_space<vmem>>, vector<16xf32>,
      %parallel_loop3A_287 = arith.index_cast %parallel_loop3A_237 : i32 to index
      %parallel_loop3A_288 = arith.constant 112 : index
      %parallel_loop3A_289 = tpu.vector_load %arg14[%parallel_loop3A_287, %parallel_loop3A_288] {strides = array<i32>} : memref<400x128xf32, #tpu.memory_space<vmem>>, vector<16xf32>,
      %parallel_loop3A_290 = arith.addf %parallel_loop3A_289, %get3A_33 : vector<16xf32>
      %parallel_loop3A_291 = arith.index_cast %parallel_loop3A_237 : i32 to index
      %parallel_loop3A_292 = arith.constant 112 : index
      %parallel_loop3A_293 = tpu.vector_load %arg14[%parallel_loop3A_291, %parallel_loop3A_292] {strides = array<i32>} : memref<400x128xf32, #tpu.memory_space<vmem>>, vector<16xf32>,
      tpu.vector_store %arg14[%parallel_loop3A_291, %parallel_loop3A_292], %parallel_loop3A_290 {strides = array<i32>} : memref<400x128xf32, #tpu.memory_space<vmem>>, vector<16xf32>,
      %parallel_loop3A_294 = arith.constant 200 : i32
      %parallel_loop3A_295 = arith.addi %parallel_loop3A_294, %parallel_loop3A_237 : i32
      %parallel_loop3A_296 = arith.index_cast %parallel_loop3A_295 : i32 to index
      %parallel_loop3A_297 = arith.constant 0 : index
      %parallel_loop3A_298 = tpu.vector_load %arg14[%parallel_loop3A_296, %parallel_loop3A_297] {strides = array<i32>} : memref<400x128xf32, #tpu.memory_space<vmem>>, vector<16xf32>,
      %parallel_loop3A_299 = arith.addf %parallel_loop3A_298, %get3A_37 : vector<16xf32>
      %parallel_loop3A_300 = arith.constant 200 : i32
      %parallel_loop3A_301 = arith.addi %parallel_loop3A_300, %parallel_loop3A_237 : i32
      %parallel_loop3A_302 = arith.index_cast %parallel_loop3A_301 : i32 to index
      %parallel_loop3A_303 = arith.constant 0 : index
      %parallel_loop3A_304 = tpu.vector_load %arg14[%parallel_loop3A_302, %parallel_loop3A_303] {strides = array<i32>} : memref<400x128xf32, #tpu.memory_space<vmem>>, vector<16xf32>,
      tpu.vector_store %arg14[%parallel_loop3A_302, %parallel_loop3A_303], %parallel_loop3A_299 {strides = array<i32>} : memref<400x128xf32, #tpu.memory_space<vmem>>, vector<16xf32>,
      %parallel_loop3A_305 = arith.constant 200 : i32
      %parallel_loop3A_306 = arith.addi %parallel_loop3A_305, %parallel_loop3A_237 : i32
      %parallel_loop3A_307 = arith.index_cast %parallel_loop3A_306 : i32 to index
      %parallel_loop3A_308 = arith.constant 16 : index
      %parallel_loop3A_309 = tpu.vector_load %arg14[%parallel_loop3A_307, %parallel_loop3A_308] {strides = array<i32>} : memref<400x128xf32, #tpu.memory_space<vmem>>, vector<16xf32>,
      %parallel_loop3A_310 = arith.addf %parallel_loop3A_309, %get3A_41 : vector<16xf32>
      %parallel_loop3A_311 = arith.constant 200 : i32
      %parallel_loop3A_312 = arith.addi %parallel_loop3A_311, %parallel_loop3A_237 : i32
      %parallel_loop3A_313 = arith.index_cast %parallel_loop3A_312 : i32 to index
      %parallel_loop3A_314 = arith.constant 16 : index
      %parallel_loop3A_315 = tpu.vector_load %arg14[%parallel_loop3A_313, %parallel_loop3A_314] {strides = array<i32>} : memref<400x128xf32, #tpu.memory_space<vmem>>, vector<16xf32>,
      tpu.vector_store %arg14[%parallel_loop3A_313, %parallel_loop3A_314], %parallel_loop3A_310 {strides = array<i32>} : memref<400x128xf32, #tpu.memory_space<vmem>>, vector<16xf32>,
      %parallel_loop3A_316 = arith.constant 200 : i32
      %parallel_loop3A_317 = arith.addi %parallel_loop3A_316, %parallel_loop3A_237 : i32
      %parallel_loop3A_318 = arith.index_cast %parallel_loop3A_317 : i32 to index
      %parallel_loop3A_319 = arith.constant 32 : index
      %parallel_loop3A_320 = tpu.vector_load %arg14[%parallel_loop3A_318, %parallel_loop3A_319] {strides = array<i32>} : memref<400x128xf32, #tpu.memory_space<vmem>>, vector<16xf32>,
      %parallel_loop3A_321 = arith.addf %parallel_loop3A_320, %get3A_45 : vector<16xf32>
      %parallel_loop3A_322 = arith.constant 200 : i32
      %parallel_loop3A_323 = arith.addi %parallel_loop3A_322, %parallel_loop3A_237 : i32
      %parallel_loop3A_324 = arith.index_cast %parallel_loop3A_323 : i32 to index
      %parallel_loop3A_325 = arith.constant 32 : index
      %parallel_loop3A_326 = tpu.vector_load %arg14[%parallel_loop3A_324, %parallel_loop3A_325] {strides = array<i32>} : memref<400x128xf32, #tpu.memory_space<vmem>>, vector<16xf32>,
      tpu.vector_store %arg14[%parallel_loop3A_324, %parallel_loop3A_325], %parallel_loop3A_321 {strides = array<i32>} : memref<400x128xf32, #tpu.memory_space<vmem>>, vector<16xf32>,
      %parallel_loop3A_327 = arith.constant 200 : i32
      %parallel_loop3A_328 = arith.addi %parallel_loop3A_327, %parallel_loop3A_237 : i32
      %parallel_loop3A_329 = arith.index_cast %parallel_loop3A_328 : i32 to index
      %parallel_loop3A_330 = arith.constant 48 : index
      %parallel_loop3A_331 = tpu.vector_load %arg14[%parallel_loop3A_329, %parallel_loop3A_330] {strides = array<i32>} : memref<400x128xf32, #tpu.memory_space<vmem>>, vector<16xf32>,
      %parallel_loop3A_332 = arith.addf %parallel_loop3A_331, %get3A_49 : vector<16xf32>
      %parallel_loop3A_333 = arith.constant 200 : i32
      %parallel_loop3A_334 = arith.addi %parallel_loop3A_333, %parallel_loop3A_237 : i32
      %parallel_loop3A_335 = arith.index_cast %parallel_loop3A_334 : i32 to index
      %parallel_loop3A_336 = arith.constant 48 : index
      %parallel_loop3A_337 = tpu.vector_load %arg14[%parallel_loop3A_335, %parallel_loop3A_336] {strides = array<i32>} : memref<400x128xf32, #tpu.memory_space<vmem>>, vector<16xf32>,
      tpu.vector_store %arg14[%parallel_loop3A_335, %parallel_loop3A_336], %parallel_loop3A_332 {strides = array<i32>} : memref<400x128xf32, #tpu.memory_space<vmem>>, vector<16xf32>,
      %parallel_loop3A_338 = arith.constant 200 : i32
      %parallel_loop3A_339 = arith.addi %parallel_loop3A_338, %parallel_loop3A_237 : i32
      %parallel_loop3A_340 = arith.index_cast %parallel_loop3A_339 : i32 to index
      %parallel_loop3A_341 = arith.constant 64 : index
      %parallel_loop3A_342 = tpu.vector_load %arg14[%parallel_loop3A_340, %parallel_loop3A_341] {strides = array<i32>} : memref<400x128xf32, #tpu.memory_space<vmem>>, vector<16xf32>,
      %parallel_loop3A_343 = arith.addf %parallel_loop3A_342, %get3A_53 : vector<16xf32>
      %parallel_loop3A_344 = arith.constant 200 : i32
      %parallel_loop3A_345 = arith.addi %parallel_loop3A_344, %parallel_loop3A_237 : i32
      %parallel_loop3A_346 = arith.index_cast %parallel_loop3A_345 : i32 to index
      %parallel_loop3A_347 = arith.constant 64 : index
      %parallel_loop3A_348 = tpu.vector_load %arg14[%parallel_loop3A_346, %parallel_loop3A_347] {strides = array<i32>} : memref<400x128xf32, #tpu.memory_space<vmem>>, vector<16xf32>,
      tpu.vector_store %arg14[%parallel_loop3A_346, %parallel_loop3A_347], %parallel_loop3A_343 {strides = array<i32>} : memref<400x128xf32, #tpu.memory_space<vmem>>, vector<16xf32>,
      %parallel_loop3A_349 = arith.constant 200 : i32
      %parallel_loop3A_350 = arith.addi %parallel_loop3A_349, %parallel_loop3A_237 : i32
      %parallel_loop3A_351 = arith.index_cast %parallel_loop3A_350 : i32 to index
      %parallel_loop3A_352 = arith.constant 80 : index
      %parallel_loop3A_353 = tpu.vector_load %arg14[%parallel_loop3A_351, %parallel_loop3A_352] {strides = array<i32>} : memref<400x128xf32, #tpu.memory_space<vmem>>, vector<16xf32>,
      %parallel_loop3A_354 = arith.addf %parallel_loop3A_353, %get3A_57 : vector<16xf32>
      %parallel_loop3A_355 = arith.constant 200 : i32
      %parallel_loop3A_356 = arith.addi %parallel_loop3A_355, %parallel_loop3A_237 : i32
      %parallel_loop3A_357 = arith.index_cast %parallel_loop3A_356 : i32 to index
      %parallel_loop3A_358 = arith.constant 80 : index
      %parallel_loop3A_359 = tpu.vector_load %arg14[%parallel_loop3A_357, %parallel_loop3A_358] {strides = array<i32>} : memref<400x128xf32, #tpu.memory_space<vmem>>, vector<16xf32>,
      tpu.vector_store %arg14[%parallel_loop3A_357, %parallel_loop3A_358], %parallel_loop3A_354 {strides = array<i32>} : memref<400x128xf32, #tpu.memory_space<vmem>>, vector<16xf32>,
      %parallel_loop3A_360 = arith.constant 200 : i32
      %parallel_loop3A_361 = arith.addi %parallel_loop3A_360, %parallel_loop3A_237 : i32
      %parallel_loop3A_362 = arith.index_cast %parallel_loop3A_361 : i32 to index
      %parallel_loop3A_363 = arith.constant 96 : index
      %parallel_loop3A_364 = tpu.vector_load %arg14[%parallel_loop3A_362, %parallel_loop3A_363] {strides = array<i32>} : memref<400x128xf32, #tpu.memory_space<vmem>>, vector<16xf32>,
      %parallel_loop3A_365 = arith.addf %parallel_loop3A_364, %get3A_61 : vector<16xf32>
      %parallel_loop3A_366 = arith.constant 200 : i32
      %parallel_loop3A_367 = arith.addi %parallel_loop3A_366, %parallel_loop3A_237 : i32
      %parallel_loop3A_368 = arith.index_cast %parallel_loop3A_367 : i32 to index
      %parallel_loop3A_369 = arith.constant 96 : index
      %parallel_loop3A_370 = tpu.vector_load %arg14[%parallel_loop3A_368, %parallel_loop3A_369] {strides = array<i32>} : memref<400x128xf32, #tpu.memory_space<vmem>>, vector<16xf32>,
      tpu.vector_store %arg14[%parallel_loop3A_368, %parallel_loop3A_369], %parallel_loop3A_365 {strides = array<i32>} : memref<400x128xf32, #tpu.memory_space<vmem>>, vector<16xf32>,
      %parallel_loop3A_371 = arith.constant 200 : i32
      %parallel_loop3A_372 = arith.addi %parallel_loop3A_371, %parallel_loop3A_237 : i32
      %parallel_loop3A_373 = arith.index_cast %parallel_loop3A_372 : i32 to index
      %parallel_loop3A_374 = arith.constant 112 : index
      %parallel_loop3A_375 = tpu.vector_load %arg14[%parallel_loop3A_373, %parallel_loop3A_374] {strides = array<i32>} : memref<400x128xf32, #tpu.memory_space<vmem>>, vector<16xf32>,
      %parallel_loop3A_376 = arith.addf %parallel_loop3A_375, %get3A_65 : vector<16xf32>
      %parallel_loop3A_377 = arith.constant 200 : i32
      %parallel_loop3A_378 = arith.addi %parallel_loop3A_377, %parallel_loop3A_237 : i32
      %parallel_loop3A_379 = arith.index_cast %parallel_loop3A_378 : i32 to index
      %parallel_loop3A_380 = arith.constant 112 : index
      %parallel_loop3A_381 = tpu.vector_load %arg14[%parallel_loop3A_379, %parallel_loop3A_380] {strides = array<i32>} : memref<400x128xf32, #tpu.memory_space<vmem>>, vector<16xf32>,
      tpu.vector_store %arg14[%parallel_loop3A_379, %parallel_loop3A_380], %parallel_loop3A_376 {strides = array<i32>} : memref<400x128xf32, #tpu.memory_space<vmem>>, vector<16xf32>,
    } {sc.loop_unroll_factor = 4 : i64, sc.parallel_access}
    %scan3A = arith.constant 0 : i32
    %scan3A_198 = arith.constant 0 : i32
    %scan3A_199 = arith.constant 32 : i32
    %scan3A_200 = arith.addi %scan3A_198, %scan3A_199 : i32
    %scan3A_201 = arith.constant 1 : i32
    scf.for %scan3A_237 = %scan3A_198 to %scan3A_200 step %scan3A_201  : i32 {
      %rem3A_238 = arith.constant 3 : i32
      %rem3A_239 = arith.remsi %scan3A_237, %rem3A_238 : i32
      %rem3A_240 = arith.constant 3 : i32
      %rem3A_241 = arith.remsi %scan3A_237, %rem3A_240 : i32
      %mul3A_242 = arith.constant 200 : i32
      %mul3A_243 = arith.muli %scan3A_237, %mul3A_242 : i32
      %add3A_244 = arith.addi %mul3A_2, %mul3A_243 : i32
      %add3A_245 = arith.constant 2 : i32
      %add3A_246 = arith.addi %scan3A_237, %add3A_245 : i32
      %lt3A = arith.constant 32 : i32
      %lt3A_247 = arith.cmpi slt, %add3A_246, %lt3A : i32
      %convert_element_type3A = arith.extui %lt3A_247 : i1 to i32
      %cond3A = arith.constant 0 : i32
      %cond3A_248 = arith.cmpi ne, %convert_element_type3A, %cond3A : i32
      scf.if %cond3A_248 {
        %add3A_300 = arith.constant 2 : i32
        %add3A_301 = arith.addi %scan3A_237, %add3A_300 : i32
        %mul3A_302 = arith.constant 200 : i32
        %mul3A_303 = arith.muli %add3A_301, %mul3A_302 : i32
        %add3A_304 = arith.addi %mul3A_2, %mul3A_303 : i32
        %rem3A_305 = arith.constant 3 : i32
        %rem3A_306 = arith.remsi %add3A_301, %rem3A_305 : i32
        %mul3A_307 = arith.constant 128 : i32
        %mul3A_308 = arith.muli %rem3A_306, %mul3A_307 : i32
        %dma_start3A_309 = tpu.memref_slice %arg10[%mul3A_308] : memref<384xi32, #tpu.memory_space<vmem>> -> memref<128xi32, #tpu.memory_space<vmem>>
        %dma_start3A_310 = tpu.memref_slice %arg2[%add3A_304] : memref<204800xi32, #tpu.memory_space<hbm>> -> memref<128xi32, #tpu.memory_space<hbm>>
        %dma_start3A_311 = tpu.memref_slice %arg10[%mul3A_308] : memref<384xi32, #tpu.memory_space<vmem>> -> memref<128xi32, #tpu.memory_space<vmem>>
        %dma_start3A_312 = tpu.memref_slice %arg2[%add3A_304] : memref<204800xi32, #tpu.memory_space<hbm>> -> memref<128xi32, #tpu.memory_space<hbm>>
        tpu.enqueue_dma source(%dma_start3A_312 : memref<128xi32, #tpu.memory_space<hbm>>) target(%dma_start3A_311 : memref<128xi32, #tpu.memory_space<vmem>>) target_semaphore(%arg20 : memref<!tpu.dma_semaphore, #tpu.memory_space<semaphore_mem>>)
        %add3A_313 = arith.constant 128 : i32
        %add3A_314 = arith.addi %add3A_304, %add3A_313 : i32
        %mul3A_315 = arith.constant 80 : i32
        %mul3A_316 = arith.muli %rem3A_306, %mul3A_315 : i32
        %dma_start3A_317 = tpu.memref_slice %arg11[%mul3A_316] : memref<240xi32, #tpu.memory_space<vmem>> -> memref<72xi32, #tpu.memory_space<vmem>>
        %dma_start3A_318 = tpu.memref_slice %arg2[%add3A_314] : memref<204800xi32, #tpu.memory_space<hbm>> -> memref<72xi32, #tpu.memory_space<hbm>>
        %dma_start3A_319 = tpu.memref_slice %arg11[%mul3A_316] : memref<240xi32, #tpu.memory_space<vmem>> -> memref<72xi32, #tpu.memory_space<vmem>>
        %dma_start3A_320 = tpu.memref_slice %arg2[%add3A_314] : memref<204800xi32, #tpu.memory_space<hbm>> -> memref<72xi32, #tpu.memory_space<hbm>>
        tpu.enqueue_dma source(%dma_start3A_320 : memref<72xi32, #tpu.memory_space<hbm>>) target(%dma_start3A_319 : memref<72xi32, #tpu.memory_space<vmem>>) target_semaphore(%arg20 : memref<!tpu.dma_semaphore, #tpu.memory_space<semaphore_mem>>)
        %mul3A_321 = arith.constant 216 : i32
        %mul3A_322 = arith.muli %rem3A_306, %mul3A_321 : i32
        %dma_start3A_323 = tpu.memref_slice %arg12[%mul3A_322] : memref<648xi32, #tpu.memory_space<vmem>> -> memref<200xi32, #tpu.memory_space<vmem>>
        %dma_start3A_324 = tpu.memref_slice %arg3[%add3A_304] : memref<204800xi32, #tpu.memory_space<hbm>> -> memref<200xi32, #tpu.memory_space<hbm>>
        %dma_start3A_325 = tpu.memref_slice %arg12[%mul3A_322] : memref<648xi32, #tpu.memory_space<vmem>> -> memref<200xi32, #tpu.memory_space<vmem>>
        %dma_start3A_326 = tpu.memref_slice %arg3[%add3A_304] : memref<204800xi32, #tpu.memory_space<hbm>> -> memref<200xi32, #tpu.memory_space<hbm>>
        tpu.enqueue_dma source(%dma_start3A_326 : memref<200xi32, #tpu.memory_space<hbm>>) target(%dma_start3A_325 : memref<200xi32, #tpu.memory_space<vmem>>) target_semaphore(%arg20 : memref<!tpu.dma_semaphore, #tpu.memory_space<semaphore_mem>>)
      } else {
      }
      %ge3A = arith.constant 2 : i32
      %ge3A_249 = arith.cmpi sge, %scan3A_237, %ge3A : i32
      %convert_element_type3A_250 = arith.extui %ge3A_249 : i1 to i32
      %cond3A_251 = arith.constant 0 : i32
      %cond3A_252 = arith.cmpi ne, %convert_element_type3A_250, %cond3A_251 : i32
      scf.if %cond3A_252 {
        %sub3A = arith.constant 2 : i32
        %sub3A_300 = arith.subi %scan3A_237, %sub3A : i32
        %rem3A_301 = arith.constant 3 : i32
        %rem3A_302 = arith.remsi %sub3A_300, %rem3A_301 : i32
        %mul3A_303 = arith.constant 200 : i32
        %mul3A_304 = arith.muli %sub3A_300, %mul3A_303 : i32
        %add3A_305 = arith.addi %mul3A_2, %mul3A_304 : i32
        %dma_wait3A_306 = arith.constant 0 : i32
        %dma_wait3A_307 = arith.constant 0 : i32
        %dma_wait3A_308 = tpu.memref_slice %arg13[%rem3A_302, %dma_wait3A_306, %dma_wait3A_307] : memref<3x200x128xf32, #tpu.memory_space<vmem>> -> memref<1x200x128xf32, #tpu.memory_space<vmem>>
        %dma_wait3A_309 = tpu.memref_squeeze %dma_wait3A_308 : memref<1x200x128xf32, #tpu.memory_space<vmem>> -> memref<200x128xf32, #tpu.memory_space<vmem>>
        %dma_wait3A_310 = arith.constant 0 : i32
        %dma_wait3A_311 = tpu.memref_slice %arg9[%add3A_305, %dma_wait3A_310] : memref<204800x128xf32, #tpu.memory_space<hbm>> -> memref<200x128xf32, #tpu.memory_space<hbm>>
        %dma_wait3A_312 = arith.constant 0 : i32
        %dma_wait3A_313 = tpu.memref_slice %arg9[%add3A_305, %dma_wait3A_312] : memref<204800x128xf32, #tpu.memory_space<hbm>> -> memref<200x128xf32, #tpu.memory_space<hbm>>
        %dma_wait3A_314 = arith.constant 0 : i32
        %dma_wait3A_315 = arith.constant 0 : i32
        %dma_wait3A_316 = tpu.memref_slice %arg13[%rem3A_302, %dma_wait3A_314, %dma_wait3A_315] : memref<3x200x128xf32, #tpu.memory_space<vmem>> -> memref<1x200x128xf32, #tpu.memory_space<vmem>>
        %dma_wait3A_317 = tpu.memref_squeeze %dma_wait3A_316 : memref<1x200x128xf32, #tpu.memory_space<vmem>> -> memref<200x128xf32, #tpu.memory_space<vmem>>
        tpu.wait_dma2 semaphore(%arg19 : memref<!tpu.dma_semaphore, #tpu.memory_space<semaphore_mem>>) src(%dma_wait3A_317 : memref<200x128xf32, #tpu.memory_space<vmem>>) dst(%dma_wait3A_313 : memref<200x128xf32, #tpu.memory_space<hbm>>)
      } else {
      }
      %add3A_253 = arith.constant 1 : i32
      %add3A_254 = arith.addi %scan3A_237, %add3A_253 : i32
      %lt3A_255 = arith.constant 32 : i32
      %lt3A_256 = arith.cmpi slt, %add3A_254, %lt3A_255 : i32
      %convert_element_type3A_257 = arith.extui %lt3A_256 : i1 to i32
      %cond3A_258 = arith.constant 0 : i32
      %cond3A_259 = arith.cmpi ne, %convert_element_type3A_257, %cond3A_258 : i32
      scf.if %cond3A_259 {
        %add3A_300 = arith.constant 1 : i32
        %add3A_301 = arith.addi %scan3A_237, %add3A_300 : i32
        %mul3A_302 = arith.constant 200 : i32
        %mul3A_303 = arith.muli %add3A_301, %mul3A_302 : i32
        %add3A_304 = arith.addi %mul3A_2, %mul3A_303 : i32
        %rem3A_305 = arith.constant 3 : i32
        %rem3A_306 = arith.remsi %add3A_301, %rem3A_305 : i32
        %mul3A_307 = arith.constant 128 : i32
        %mul3A_308 = arith.muli %rem3A_306, %mul3A_307 : i32
        %dma_wait3A_309 = tpu.memref_slice %arg10[%mul3A_308] : memref<384xi32, #tpu.memory_space<vmem>> -> memref<128xi32, #tpu.memory_space<vmem>>
        %dma_wait3A_310 = tpu.memref_slice %arg2[%add3A_304] : memref<204800xi32, #tpu.memory_space<hbm>> -> memref<128xi32, #tpu.memory_space<hbm>>
        %dma_wait3A_311 = tpu.memref_slice %arg10[%mul3A_308] : memref<384xi32, #tpu.memory_space<vmem>> -> memref<128xi32, #tpu.memory_space<vmem>>
        %dma_wait3A_312 = tpu.memref_slice %arg2[%add3A_304] : memref<204800xi32, #tpu.memory_space<hbm>> -> memref<128xi32, #tpu.memory_space<hbm>>
        tpu.wait_dma2 semaphore(%arg20 : memref<!tpu.dma_semaphore, #tpu.memory_space<semaphore_mem>>) src(%dma_wait3A_312 : memref<128xi32, #tpu.memory_space<hbm>>) dst(%dma_wait3A_311 : memref<128xi32, #tpu.memory_space<vmem>>)
        %add3A_313 = arith.constant 128 : i32
        %add3A_314 = arith.addi %add3A_304, %add3A_313 : i32
        %mul3A_315 = arith.constant 80 : i32
        %mul3A_316 = arith.muli %rem3A_306, %mul3A_315 : i32
        %dma_wait3A_317 = tpu.memref_slice %arg11[%mul3A_316] : memref<240xi32, #tpu.memory_space<vmem>> -> memref<72xi32, #tpu.memory_space<vmem>>
        %dma_wait3A_318 = tpu.memref_slice %arg2[%add3A_314] : memref<204800xi32, #tpu.memory_space<hbm>> -> memref<72xi32, #tpu.memory_space<hbm>>
        %dma_wait3A_319 = tpu.memref_slice %arg11[%mul3A_316] : memref<240xi32, #tpu.memory_space<vmem>> -> memref<72xi32, #tpu.memory_space<vmem>>
        %dma_wait3A_320 = tpu.memref_slice %arg2[%add3A_314] : memref<204800xi32, #tpu.memory_space<hbm>> -> memref<72xi32, #tpu.memory_space<hbm>>
        tpu.wait_dma2 semaphore(%arg20 : memref<!tpu.dma_semaphore, #tpu.memory_space<semaphore_mem>>) src(%dma_wait3A_320 : memref<72xi32, #tpu.memory_space<hbm>>) dst(%dma_wait3A_319 : memref<72xi32, #tpu.memory_space<vmem>>)
        %mul3A_321 = arith.constant 216 : i32
        %mul3A_322 = arith.muli %rem3A_306, %mul3A_321 : i32
        %dma_wait3A_323 = tpu.memref_slice %arg12[%mul3A_322] : memref<648xi32, #tpu.memory_space<vmem>> -> memref<200xi32, #tpu.memory_space<vmem>>
        %dma_wait3A_324 = tpu.memref_slice %arg3[%add3A_304] : memref<204800xi32, #tpu.memory_space<hbm>> -> memref<200xi32, #tpu.memory_space<hbm>>
        %dma_wait3A_325 = tpu.memref_slice %arg12[%mul3A_322] : memref<648xi32, #tpu.memory_space<vmem>> -> memref<200xi32, #tpu.memory_space<vmem>>
        %dma_wait3A_326 = tpu.memref_slice %arg3[%add3A_304] : memref<204800xi32, #tpu.memory_space<hbm>> -> memref<200xi32, #tpu.memory_space<hbm>>
        tpu.wait_dma2 semaphore(%arg20 : memref<!tpu.dma_semaphore, #tpu.memory_space<semaphore_mem>>) src(%dma_wait3A_326 : memref<200xi32, #tpu.memory_space<hbm>>) dst(%dma_wait3A_325 : memref<200xi32, #tpu.memory_space<vmem>>)
        %add3A_327 = arith.constant 1 : i32
        %add3A_328 = arith.addi %scan3A_237, %add3A_327 : i32
        %rem3A_329 = arith.constant 3 : i32
        %rem3A_330 = arith.remsi %add3A_328, %rem3A_329 : i32
        %rem3A_331 = arith.constant 3 : i32
        %rem3A_332 = arith.remsi %add3A_328, %rem3A_331 : i32
        %mul3A_333 = arith.constant 128 : i32
        %mul3A_334 = arith.muli %rem3A_330, %mul3A_333 : i32
        %dma_start3A_335 = arith.constant 0 : i32
        %dma_start3A_336 = arith.constant 0 : i32
        %dma_start3A_337 = tpu.memref_slice %arg13[%rem3A_332, %dma_start3A_335, %dma_start3A_336] : memref<3x200x128xf32, #tpu.memory_space<vmem>> -> memref<1x128x128xf32, #tpu.memory_space<vmem>>
        %dma_start3A_338 = tpu.memref_squeeze %dma_start3A_337 : memref<1x128x128xf32, #tpu.memory_space<vmem>> -> memref<128x128xf32, #tpu.memory_space<vmem>>
        %dma_start3A_339 = tpu.memref_slice %arg10[%mul3A_334] : memref<384xi32, #tpu.memory_space<vmem>> -> memref<128xi32, #tpu.memory_space<vmem>>
        %dma_start3A_340 = arith.constant 0 : i32
        %dma_start3A_341 = arith.constant 0 : i32
        %dma_start3A_342 = tpu.memref_slice %arg4[%dma_start3A_340, %dma_start3A_341] : memref<100000x128xf32, #tpu.memory_space<hbm>> -> memref<100000x128xf32, #tpu.memory_space<hbm>>
        tpu.enqueue_indirect_dma source(%dma_start3A_342 : memref<100000x128xf32, #tpu.memory_space<hbm>>) target(%dma_start3A_338 : memref<128x128xf32, #tpu.memory_space<vmem>>) offsets(%dma_start3A_339 : memref<128xi32, #tpu.memory_space<vmem>>) semaphore(%arg18 : memref<!tpu.dma_semaphore, #tpu.memory_space<semaphore_mem>>)
        %mul3A_343 = arith.constant 80 : i32
        %mul3A_344 = arith.muli %rem3A_330, %mul3A_343 : i32
        %dma_start3A_345 = arith.constant 128 : i32
        %dma_start3A_346 = arith.constant 0 : i32
        %dma_start3A_347 = tpu.memref_slice %arg13[%rem3A_332, %dma_start3A_345, %dma_start3A_346] : memref<3x200x128xf32, #tpu.memory_space<vmem>> -> memref<1x72x128xf32, #tpu.memory_space<vmem>>
        %dma_start3A_348 = tpu.memref_squeeze %dma_start3A_347 : memref<1x72x128xf32, #tpu.memory_space<vmem>> -> memref<72x128xf32, #tpu.memory_space<vmem>>
        %dma_start3A_349 = tpu.memref_slice %arg11[%mul3A_344] : memref<240xi32, #tpu.memory_space<vmem>> -> memref<72xi32, #tpu.memory_space<vmem>>
        %dma_start3A_350 = arith.constant 0 : i32
        %dma_start3A_351 = arith.constant 0 : i32
        %dma_start3A_352 = tpu.memref_slice %arg4[%dma_start3A_350, %dma_start3A_351] : memref<100000x128xf32, #tpu.memory_space<hbm>> -> memref<100000x128xf32, #tpu.memory_space<hbm>>
        tpu.enqueue_indirect_dma source(%dma_start3A_352 : memref<100000x128xf32, #tpu.memory_space<hbm>>) target(%dma_start3A_348 : memref<72x128xf32, #tpu.memory_space<vmem>>) offsets(%dma_start3A_349 : memref<72xi32, #tpu.memory_space<vmem>>) semaphore(%arg18 : memref<!tpu.dma_semaphore, #tpu.memory_space<semaphore_mem>>)
      } else {
      }
      %rem3A_260 = arith.constant 3 : i32
      %rem3A_261 = arith.remsi %scan3A_237, %rem3A_260 : i32
      %rem3A_262 = arith.constant 3 : i32
      %rem3A_263 = arith.remsi %scan3A_237, %rem3A_262 : i32
      %mul3A_264 = arith.constant 128 : i32
      %mul3A_265 = arith.muli %rem3A_261, %mul3A_264 : i32
      %dma_wait3A_266 = arith.constant 0 : i32
      %dma_wait3A_267 = arith.constant 0 : i32
      %dma_wait3A_268 = tpu.memref_slice %arg13[%rem3A_263, %dma_wait3A_266, %dma_wait3A_267] : memref<3x200x128xf32, #tpu.memory_space<vmem>> -> memref<1x128x128xf32, #tpu.memory_space<vmem>>
      %dma_wait3A_269 = tpu.memref_squeeze %dma_wait3A_268 : memref<1x128x128xf32, #tpu.memory_space<vmem>> -> memref<128x128xf32, #tpu.memory_space<vmem>>
      %dma_wait3A_270 = tpu.memref_slice %arg10[%mul3A_265] : memref<384xi32, #tpu.memory_space<vmem>> -> memref<128xi32, #tpu.memory_space<vmem>>
      %dma_wait3A_271 = arith.constant 0 : i32
      %dma_wait3A_272 = arith.constant 0 : i32
      %dma_wait3A_273 = tpu.memref_slice %arg4[%dma_wait3A_271, %dma_wait3A_272] : memref<100000x128xf32, #tpu.memory_space<hbm>> -> memref<100000x128xf32, #tpu.memory_space<hbm>>
      tpu.wait_indirect_dma semaphore(%arg18 : memref<!tpu.dma_semaphore, #tpu.memory_space<semaphore_mem>>) src(%dma_wait3A_273 : memref<100000x128xf32, #tpu.memory_space<hbm>>) dst(%dma_wait3A_269 : memref<128x128xf32, #tpu.memory_space<vmem>>)
      %mul3A_274 = arith.constant 80 : i32
      %mul3A_275 = arith.muli %rem3A_261, %mul3A_274 : i32
      %dma_wait3A_276 = arith.constant 128 : i32
      %dma_wait3A_277 = arith.constant 0 : i32
      %dma_wait3A_278 = tpu.memref_slice %arg13[%rem3A_263, %dma_wait3A_276, %dma_wait3A_277] : memref<3x200x128xf32, #tpu.memory_space<vmem>> -> memref<1x72x128xf32, #tpu.memory_space<vmem>>
      %dma_wait3A_279 = tpu.memref_squeeze %dma_wait3A_278 : memref<1x72x128xf32, #tpu.memory_space<vmem>> -> memref<72x128xf32, #tpu.memory_space<vmem>>
      %dma_wait3A_280 = tpu.memref_slice %arg11[%mul3A_275] : memref<240xi32, #tpu.memory_space<vmem>> -> memref<72xi32, #tpu.memory_space<vmem>>
      %dma_wait3A_281 = arith.constant 0 : i32
      %dma_wait3A_282 = arith.constant 0 : i32
      %dma_wait3A_283 = tpu.memref_slice %arg4[%dma_wait3A_281, %dma_wait3A_282] : memref<100000x128xf32, #tpu.memory_space<hbm>> -> memref<100000x128xf32, #tpu.memory_space<hbm>>
      tpu.wait_indirect_dma semaphore(%arg18 : memref<!tpu.dma_semaphore, #tpu.memory_space<semaphore_mem>>) src(%dma_wait3A_283 : memref<100000x128xf32, #tpu.memory_space<hbm>>) dst(%dma_wait3A_279 : memref<72x128xf32, #tpu.memory_space<vmem>>)
      %parallel_loop3A_284 = arith.constant 0 : i32
      %parallel_loop3A_285 = arith.constant 200 : i32
      %parallel_loop3A_286 = arith.constant 1 : i32
      %parallel_loop3A_287:16 = scf.for %parallel_loop3A_300 = %parallel_loop3A_284 to %parallel_loop3A_285 step %parallel_loop3A_286 iter_args(%parallel_loop3A_301 = %get3A_67, %parallel_loop3A_302 = %get3A_69, %parallel_loop3A_303 = %get3A_71, %parallel_loop3A_304 = %get3A_73, %parallel_loop3A_305 = %get3A_75, %parallel_loop3A_306 = %get3A_77, %parallel_loop3A_307 = %get3A_79, %parallel_loop3A_308 = %get3A_81, %parallel_loop3A_309 = %get3A_83, %parallel_loop3A_310 = %get3A_85, %parallel_loop3A_311 = %get3A_87, %parallel_loop3A_312 = %get3A_89, %parallel_loop3A_313 = %get3A_91, %parallel_loop3A_314 = %get3A_93, %parallel_loop3A_315 = %get3A_95, %parallel_loop3A_316 = %get3A_97) -> (vector<16xf32>, vector<16xf32>, vector<16xf32>, vector<16xf32>, vector<16xf32>, vector<16xf32>, vector<16xf32>, vector<16xf32>, vector<16xf32>, vector<16xf32>, vector<16xf32>, vector<16xf32>, vector<16xf32>, vector<16xf32>, vector<16xf32>, vector<16xf32>)  : i32 {
        %parallel_loop3A_317 = arith.constant 216 : i32
        %parallel_loop3A_318 = arith.muli %rem3A_241, %parallel_loop3A_317 : i32
        %parallel_loop3A_319 = arith.addi %parallel_loop3A_318, %parallel_loop3A_300 : i32
        %parallel_loop3A_320 = arith.index_cast %parallel_loop3A_319 : i32 to index
        %parallel_loop3A_321 = tpu.vector_load %arg12[%parallel_loop3A_320] {strides = array<i32>} : memref<648xi32, #tpu.memory_space<vmem>>, vector<16xi32>,
        %parallel_loop3A_322 = vector.extract_strided_slice %parallel_loop3A_321 {offsets = [0], sizes = [1], strides = [1]} : vector<16xi32> to vector<1xi32>
        %parallel_loop3A_323 = vector.extract %parallel_loop3A_322[0] : i32 from vector<1xi32>
        %parallel_loop3A_324 = arith.constant 200 : i32
        %parallel_loop3A_325 = arith.muli %parallel_loop3A_323, %parallel_loop3A_324 : i32
        %parallel_loop3A_326 = arith.addi %parallel_loop3A_300, %parallel_loop3A_325 : i32
        %parallel_loop3A_327 = arith.index_cast %rem3A_239 : i32 to index
        %parallel_loop3A_328 = arith.index_cast %parallel_loop3A_300 : i32 to index
        %parallel_loop3A_329 = arith.constant 0 : index
        %parallel_loop3A_330 = tpu.vector_load %arg13[%parallel_loop3A_327, %parallel_loop3A_328, %parallel_loop3A_329] {strides = array<i32>} : memref<3x200x128xf32, #tpu.memory_space<vmem>>, vector<16xf32>,
        %parallel_loop3A_331 = arith.index_cast %parallel_loop3A_326 : i32 to index
        %parallel_loop3A_332 = arith.constant 0 : index
        %parallel_loop3A_333 = tpu.vector_load %arg14[%parallel_loop3A_331, %parallel_loop3A_332] {strides = array<i32>} : memref<400x128xf32, #tpu.memory_space<vmem>>, vector<16xf32>,
        %parallel_loop3A_334 = arith.addf %parallel_loop3A_330, %parallel_loop3A_333 : vector<16xf32>
        %parallel_loop3A_335 = arith.index_cast %rem3A_239 : i32 to index
        %parallel_loop3A_336 = arith.index_cast %parallel_loop3A_300 : i32 to index
        %parallel_loop3A_337 = arith.constant 16 : index
        %parallel_loop3A_338 = tpu.vector_load %arg13[%parallel_loop3A_335, %parallel_loop3A_336, %parallel_loop3A_337] {strides = array<i32>} : memref<3x200x128xf32, #tpu.memory_space<vmem>>, vector<16xf32>,
        %parallel_loop3A_339 = arith.index_cast %parallel_loop3A_326 : i32 to index
        %parallel_loop3A_340 = arith.constant 16 : index
        %parallel_loop3A_341 = tpu.vector_load %arg14[%parallel_loop3A_339, %parallel_loop3A_340] {strides = array<i32>} : memref<400x128xf32, #tpu.memory_space<vmem>>, vector<16xf32>,
        %parallel_loop3A_342 = arith.addf %parallel_loop3A_338, %parallel_loop3A_341 : vector<16xf32>
        %parallel_loop3A_343 = arith.index_cast %rem3A_239 : i32 to index
        %parallel_loop3A_344 = arith.index_cast %parallel_loop3A_300 : i32 to index
        %parallel_loop3A_345 = arith.constant 32 : index
        %parallel_loop3A_346 = tpu.vector_load %arg13[%parallel_loop3A_343, %parallel_loop3A_344, %parallel_loop3A_345] {strides = array<i32>} : memref<3x200x128xf32, #tpu.memory_space<vmem>>, vector<16xf32>,
        %parallel_loop3A_347 = arith.index_cast %parallel_loop3A_326 : i32 to index
        %parallel_loop3A_348 = arith.constant 32 : index
        %parallel_loop3A_349 = tpu.vector_load %arg14[%parallel_loop3A_347, %parallel_loop3A_348] {strides = array<i32>} : memref<400x128xf32, #tpu.memory_space<vmem>>, vector<16xf32>,
        %parallel_loop3A_350 = arith.addf %parallel_loop3A_346, %parallel_loop3A_349 : vector<16xf32>
        %parallel_loop3A_351 = arith.index_cast %rem3A_239 : i32 to index
        %parallel_loop3A_352 = arith.index_cast %parallel_loop3A_300 : i32 to index
        %parallel_loop3A_353 = arith.constant 48 : index
        %parallel_loop3A_354 = tpu.vector_load %arg13[%parallel_loop3A_351, %parallel_loop3A_352, %parallel_loop3A_353] {strides = array<i32>} : memref<3x200x128xf32, #tpu.memory_space<vmem>>, vector<16xf32>,
        %parallel_loop3A_355 = arith.index_cast %parallel_loop3A_326 : i32 to index
        %parallel_loop3A_356 = arith.constant 48 : index
        %parallel_loop3A_357 = tpu.vector_load %arg14[%parallel_loop3A_355, %parallel_loop3A_356] {strides = array<i32>} : memref<400x128xf32, #tpu.memory_space<vmem>>, vector<16xf32>,
        %parallel_loop3A_358 = arith.addf %parallel_loop3A_354, %parallel_loop3A_357 : vector<16xf32>
        %parallel_loop3A_359 = arith.index_cast %rem3A_239 : i32 to index
        %parallel_loop3A_360 = arith.index_cast %parallel_loop3A_300 : i32 to index
        %parallel_loop3A_361 = arith.constant 64 : index
        %parallel_loop3A_362 = tpu.vector_load %arg13[%parallel_loop3A_359, %parallel_loop3A_360, %parallel_loop3A_361] {strides = array<i32>} : memref<3x200x128xf32, #tpu.memory_space<vmem>>, vector<16xf32>,
        %parallel_loop3A_363 = arith.index_cast %parallel_loop3A_326 : i32 to index
        %parallel_loop3A_364 = arith.constant 64 : index
        %parallel_loop3A_365 = tpu.vector_load %arg14[%parallel_loop3A_363, %parallel_loop3A_364] {strides = array<i32>} : memref<400x128xf32, #tpu.memory_space<vmem>>, vector<16xf32>,
        %parallel_loop3A_366 = arith.addf %parallel_loop3A_362, %parallel_loop3A_365 : vector<16xf32>
        %parallel_loop3A_367 = arith.index_cast %rem3A_239 : i32 to index
        %parallel_loop3A_368 = arith.index_cast %parallel_loop3A_300 : i32 to index
        %parallel_loop3A_369 = arith.constant 80 : index
        %parallel_loop3A_370 = tpu.vector_load %arg13[%parallel_loop3A_367, %parallel_loop3A_368, %parallel_loop3A_369] {strides = array<i32>} : memref<3x200x128xf32, #tpu.memory_space<vmem>>, vector<16xf32>,
        %parallel_loop3A_371 = arith.index_cast %parallel_loop3A_326 : i32 to index
        %parallel_loop3A_372 = arith.constant 80 : index
        %parallel_loop3A_373 = tpu.vector_load %arg14[%parallel_loop3A_371, %parallel_loop3A_372] {strides = array<i32>} : memref<400x128xf32, #tpu.memory_space<vmem>>, vector<16xf32>,
        %parallel_loop3A_374 = arith.addf %parallel_loop3A_370, %parallel_loop3A_373 : vector<16xf32>
        %parallel_loop3A_375 = arith.index_cast %rem3A_239 : i32 to index
        %parallel_loop3A_376 = arith.index_cast %parallel_loop3A_300 : i32 to index
        %parallel_loop3A_377 = arith.constant 96 : index
        %parallel_loop3A_378 = tpu.vector_load %arg13[%parallel_loop3A_375, %parallel_loop3A_376, %parallel_loop3A_377] {strides = array<i32>} : memref<3x200x128xf32, #tpu.memory_space<vmem>>, vector<16xf32>,
        %parallel_loop3A_379 = arith.index_cast %parallel_loop3A_326 : i32 to index
        %parallel_loop3A_380 = arith.constant 96 : index
        %parallel_loop3A_381 = tpu.vector_load %arg14[%parallel_loop3A_379, %parallel_loop3A_380] {strides = array<i32>} : memref<400x128xf32, #tpu.memory_space<vmem>>, vector<16xf32>,
        %parallel_loop3A_382 = arith.addf %parallel_loop3A_378, %parallel_loop3A_381 : vector<16xf32>
        %parallel_loop3A_383 = arith.index_cast %rem3A_239 : i32 to index
        %parallel_loop3A_384 = arith.index_cast %parallel_loop3A_300 : i32 to index
        %parallel_loop3A_385 = arith.constant 112 : index
        %parallel_loop3A_386 = tpu.vector_load %arg13[%parallel_loop3A_383, %parallel_loop3A_384, %parallel_loop3A_385] {strides = array<i32>} : memref<3x200x128xf32, #tpu.memory_space<vmem>>, vector<16xf32>,
        %parallel_loop3A_387 = arith.index_cast %parallel_loop3A_326 : i32 to index
        %parallel_loop3A_388 = arith.constant 112 : index
        %parallel_loop3A_389 = tpu.vector_load %arg14[%parallel_loop3A_387, %parallel_loop3A_388] {strides = array<i32>} : memref<400x128xf32, #tpu.memory_space<vmem>>, vector<16xf32>,
        %parallel_loop3A_390 = arith.addf %parallel_loop3A_386, %parallel_loop3A_389 : vector<16xf32>
        %parallel_loop3A_391 = arith.addf %parallel_loop3A_334, %parallel_loop3A_342 : vector<16xf32>
        %parallel_loop3A_392 = arith.addf %parallel_loop3A_350, %parallel_loop3A_358 : vector<16xf32>
        %parallel_loop3A_393 = arith.addf %parallel_loop3A_366, %parallel_loop3A_374 : vector<16xf32>
        %parallel_loop3A_394 = arith.addf %parallel_loop3A_382, %parallel_loop3A_390 : vector<16xf32>
        %parallel_loop3A_395 = arith.addf %parallel_loop3A_391, %parallel_loop3A_392 : vector<16xf32>
        %parallel_loop3A_396 = arith.addf %parallel_loop3A_393, %parallel_loop3A_394 : vector<16xf32>
        %parallel_loop3A_397 = arith.addf %parallel_loop3A_395, %parallel_loop3A_396 : vector<16xf32>
        %parallel_loop3A_398 = arith.mulf %parallel_loop3A_334, %parallel_loop3A_334 : vector<16xf32>
        %parallel_loop3A_399 = arith.mulf %parallel_loop3A_342, %parallel_loop3A_342 : vector<16xf32>
        %parallel_loop3A_400 = arith.mulf %parallel_loop3A_350, %parallel_loop3A_350 : vector<16xf32>
        %parallel_loop3A_401 = arith.mulf %parallel_loop3A_358, %parallel_loop3A_358 : vector<16xf32>
        %parallel_loop3A_402 = arith.mulf %parallel_loop3A_366, %parallel_loop3A_366 : vector<16xf32>
        %parallel_loop3A_403 = arith.mulf %parallel_loop3A_374, %parallel_loop3A_374 : vector<16xf32>
        %parallel_loop3A_404 = arith.mulf %parallel_loop3A_382, %parallel_loop3A_382 : vector<16xf32>
        %parallel_loop3A_405 = arith.mulf %parallel_loop3A_390, %parallel_loop3A_390 : vector<16xf32>
        %parallel_loop3A_406 = arith.addf %parallel_loop3A_398, %parallel_loop3A_399 : vector<16xf32>
        %parallel_loop3A_407 = arith.addf %parallel_loop3A_400, %parallel_loop3A_401 : vector<16xf32>
        %parallel_loop3A_408 = arith.addf %parallel_loop3A_402, %parallel_loop3A_403 : vector<16xf32>
        %parallel_loop3A_409 = arith.addf %parallel_loop3A_404, %parallel_loop3A_405 : vector<16xf32>
        %parallel_loop3A_410 = arith.addf %parallel_loop3A_406, %parallel_loop3A_407 : vector<16xf32>
        %parallel_loop3A_411 = arith.addf %parallel_loop3A_408, %parallel_loop3A_409 : vector<16xf32>
        %parallel_loop3A_412 = arith.addf %parallel_loop3A_410, %parallel_loop3A_411 : vector<16xf32>
        %parallel_loop3A_413 = arith.constant true
        %parallel_loop3A_414 = vector.broadcast %parallel_loop3A_413 : i1 to vector<16xi1>
        %parallel_loop3A_415 = tpu.scan <sum>, %parallel_loop3A_397 masked %parallel_loop3A_414 : vector<16xf32>, vector<16xi1> -> vector<16xf32>
        %parallel_loop3A_416 = vector.extract %parallel_loop3A_415[15] : f32 from vector<16xf32>
        %parallel_loop3A_417 = arith.constant 7.812500e-03 : f32
        %parallel_loop3A_418 = arith.mulf %parallel_loop3A_416, %parallel_loop3A_417 : f32
        %parallel_loop3A_419 = arith.constant true
        %parallel_loop3A_420 = vector.broadcast %parallel_loop3A_419 : i1 to vector<16xi1>
        %parallel_loop3A_421 = tpu.scan <sum>, %parallel_loop3A_412 masked %parallel_loop3A_420 : vector<16xf32>, vector<16xi1> -> vector<16xf32>
        %parallel_loop3A_422 = vector.extract %parallel_loop3A_421[15] : f32 from vector<16xf32>
        %parallel_loop3A_423 = arith.constant 7.812500e-03 : f32
        %parallel_loop3A_424 = arith.mulf %parallel_loop3A_422, %parallel_loop3A_423 : f32
        %parallel_loop3A_425 = arith.mulf %parallel_loop3A_418, %parallel_loop3A_418 : f32
        %parallel_loop3A_426 = arith.subf %parallel_loop3A_424, %parallel_loop3A_425 : f32
        %parallel_loop3A_427 = arith.constant 9.99999996E-13 : f32
        %parallel_loop3A_428 = arith.addf %parallel_loop3A_426, %parallel_loop3A_427 : f32
        %parallel_loop3A_429 = arith.bitcast %parallel_loop3A_428 : f32 to i32
        %parallel_loop3A_430 = arith.constant 1 : i32
        %parallel_loop3A_431 = arith.shrsi %parallel_loop3A_429, %parallel_loop3A_430 : i32
        %parallel_loop3A_432 = arith.constant 1597463007 : i32
        %parallel_loop3A_433 = arith.subi %parallel_loop3A_432, %parallel_loop3A_431 : i32
        %parallel_loop3A_434 = arith.bitcast %parallel_loop3A_433 : i32 to f32
        %parallel_loop3A_435 = arith.constant 5.000000e-01 : f32
        %parallel_loop3A_436 = arith.mulf %parallel_loop3A_435, %parallel_loop3A_428 : f32
        %parallel_loop3A_437 = arith.mulf %parallel_loop3A_436, %parallel_loop3A_434 : f32
        %parallel_loop3A_438 = arith.mulf %parallel_loop3A_437, %parallel_loop3A_434 : f32
        %parallel_loop3A_439 = arith.constant 1.500000e+00 : f32
        %parallel_loop3A_440 = arith.subf %parallel_loop3A_439, %parallel_loop3A_438 : f32
        %parallel_loop3A_441 = arith.mulf %parallel_loop3A_434, %parallel_loop3A_440 : f32
        %parallel_loop3A_442 = arith.constant 5.000000e-01 : f32
        %parallel_loop3A_443 = arith.mulf %parallel_loop3A_442, %parallel_loop3A_428 : f32
        %parallel_loop3A_444 = arith.mulf %parallel_loop3A_443, %parallel_loop3A_441 : f32
        %parallel_loop3A_445 = arith.mulf %parallel_loop3A_444, %parallel_loop3A_441 : f32
        %parallel_loop3A_446 = arith.constant 1.500000e+00 : f32
        %parallel_loop3A_447 = arith.subf %parallel_loop3A_446, %parallel_loop3A_445 : f32
        %parallel_loop3A_448 = arith.mulf %parallel_loop3A_441, %parallel_loop3A_447 : f32
        %parallel_loop3A_449 = arith.constant 5.000000e-01 : f32
        %parallel_loop3A_450 = arith.mulf %parallel_loop3A_449, %parallel_loop3A_428 : f32
        %parallel_loop3A_451 = arith.mulf %parallel_loop3A_450, %parallel_loop3A_448 : f32
        %parallel_loop3A_452 = arith.mulf %parallel_loop3A_451, %parallel_loop3A_448 : f32
        %parallel_loop3A_453 = arith.constant 1.500000e+00 : f32
        %parallel_loop3A_454 = arith.subf %parallel_loop3A_453, %parallel_loop3A_452 : f32
        %parallel_loop3A_455 = arith.mulf %parallel_loop3A_448, %parallel_loop3A_454 : f32
        %parallel_loop3A_456 = vector.broadcast %parallel_loop3A_418 : f32 to vector<16xf32>
        %parallel_loop3A_457 = arith.subf %parallel_loop3A_334, %parallel_loop3A_456 : vector<16xf32>
        %parallel_loop3A_458 = vector.broadcast %parallel_loop3A_455 : f32 to vector<16xf32>
        %parallel_loop3A_459 = arith.mulf %parallel_loop3A_458, %parallel_loop3A_301 : vector<16xf32>
        %parallel_loop3A_460 = arith.mulf %parallel_loop3A_457, %parallel_loop3A_459 : vector<16xf32>
        %parallel_loop3A_461 = arith.addf %parallel_loop3A_460, %parallel_loop3A_309 : vector<16xf32>
        %parallel_loop3A_462 = arith.index_cast %rem3A_239 : i32 to index
        %parallel_loop3A_463 = arith.index_cast %parallel_loop3A_300 : i32 to index
        %parallel_loop3A_464 = arith.constant 0 : index
        %parallel_loop3A_465 = tpu.vector_load %arg13[%parallel_loop3A_462, %parallel_loop3A_463, %parallel_loop3A_464] {strides = array<i32>} : memref<3x200x128xf32, #tpu.memory_space<vmem>>, vector<16xf32>,
        tpu.vector_store %arg13[%parallel_loop3A_462, %parallel_loop3A_463, %parallel_loop3A_464], %parallel_loop3A_461 {strides = array<i32>} : memref<3x200x128xf32, #tpu.memory_space<vmem>>, vector<16xf32>,
        %parallel_loop3A_466 = vector.broadcast %parallel_loop3A_418 : f32 to vector<16xf32>
        %parallel_loop3A_467 = arith.subf %parallel_loop3A_342, %parallel_loop3A_466 : vector<16xf32>
        %parallel_loop3A_468 = vector.broadcast %parallel_loop3A_455 : f32 to vector<16xf32>
        %parallel_loop3A_469 = arith.mulf %parallel_loop3A_468, %parallel_loop3A_302 : vector<16xf32>
        %parallel_loop3A_470 = arith.mulf %parallel_loop3A_467, %parallel_loop3A_469 : vector<16xf32>
        %parallel_loop3A_471 = arith.addf %parallel_loop3A_470, %parallel_loop3A_310 : vector<16xf32>
        %parallel_loop3A_472 = arith.index_cast %rem3A_239 : i32 to index
        %parallel_loop3A_473 = arith.index_cast %parallel_loop3A_300 : i32 to index
        %parallel_loop3A_474 = arith.constant 16 : index
        %parallel_loop3A_475 = tpu.vector_load %arg13[%parallel_loop3A_472, %parallel_loop3A_473, %parallel_loop3A_474] {strides = array<i32>} : memref<3x200x128xf32, #tpu.memory_space<vmem>>, vector<16xf32>,
        tpu.vector_store %arg13[%parallel_loop3A_472, %parallel_loop3A_473, %parallel_loop3A_474], %parallel_loop3A_471 {strides = array<i32>} : memref<3x200x128xf32, #tpu.memory_space<vmem>>, vector<16xf32>,
        %parallel_loop3A_476 = vector.broadcast %parallel_loop3A_418 : f32 to vector<16xf32>
        %parallel_loop3A_477 = arith.subf %parallel_loop3A_350, %parallel_loop3A_476 : vector<16xf32>
        %parallel_loop3A_478 = vector.broadcast %parallel_loop3A_455 : f32 to vector<16xf32>
        %parallel_loop3A_479 = arith.mulf %parallel_loop3A_478, %parallel_loop3A_303 : vector<16xf32>
        %parallel_loop3A_480 = arith.mulf %parallel_loop3A_477, %parallel_loop3A_479 : vector<16xf32>
        %parallel_loop3A_481 = arith.addf %parallel_loop3A_480, %parallel_loop3A_311 : vector<16xf32>
        %parallel_loop3A_482 = arith.index_cast %rem3A_239 : i32 to index
        %parallel_loop3A_483 = arith.index_cast %parallel_loop3A_300 : i32 to index
        %parallel_loop3A_484 = arith.constant 32 : index
        %parallel_loop3A_485 = tpu.vector_load %arg13[%parallel_loop3A_482, %parallel_loop3A_483, %parallel_loop3A_484] {strides = array<i32>} : memref<3x200x128xf32, #tpu.memory_space<vmem>>, vector<16xf32>,
        tpu.vector_store %arg13[%parallel_loop3A_482, %parallel_loop3A_483, %parallel_loop3A_484], %parallel_loop3A_481 {strides = array<i32>} : memref<3x200x128xf32, #tpu.memory_space<vmem>>, vector<16xf32>,
        %parallel_loop3A_486 = vector.broadcast %parallel_loop3A_418 : f32 to vector<16xf32>
        %parallel_loop3A_487 = arith.subf %parallel_loop3A_358, %parallel_loop3A_486 : vector<16xf32>
        %parallel_loop3A_488 = vector.broadcast %parallel_loop3A_455 : f32 to vector<16xf32>
        %parallel_loop3A_489 = arith.mulf %parallel_loop3A_488, %parallel_loop3A_304 : vector<16xf32>
        %parallel_loop3A_490 = arith.mulf %parallel_loop3A_487, %parallel_loop3A_489 : vector<16xf32>
        %parallel_loop3A_491 = arith.addf %parallel_loop3A_490, %parallel_loop3A_312 : vector<16xf32>
        %parallel_loop3A_492 = arith.index_cast %rem3A_239 : i32 to index
        %parallel_loop3A_493 = arith.index_cast %parallel_loop3A_300 : i32 to index
        %parallel_loop3A_494 = arith.constant 48 : index
        %parallel_loop3A_495 = tpu.vector_load %arg13[%parallel_loop3A_492, %parallel_loop3A_493, %parallel_loop3A_494] {strides = array<i32>} : memref<3x200x128xf32, #tpu.memory_space<vmem>>, vector<16xf32>,
        tpu.vector_store %arg13[%parallel_loop3A_492, %parallel_loop3A_493, %parallel_loop3A_494], %parallel_loop3A_491 {strides = array<i32>} : memref<3x200x128xf32, #tpu.memory_space<vmem>>, vector<16xf32>,
        %parallel_loop3A_496 = vector.broadcast %parallel_loop3A_418 : f32 to vector<16xf32>
        %parallel_loop3A_497 = arith.subf %parallel_loop3A_366, %parallel_loop3A_496 : vector<16xf32>
        %parallel_loop3A_498 = vector.broadcast %parallel_loop3A_455 : f32 to vector<16xf32>
        %parallel_loop3A_499 = arith.mulf %parallel_loop3A_498, %parallel_loop3A_305 : vector<16xf32>
        %parallel_loop3A_500 = arith.mulf %parallel_loop3A_497, %parallel_loop3A_499 : vector<16xf32>
        %parallel_loop3A_501 = arith.addf %parallel_loop3A_500, %parallel_loop3A_313 : vector<16xf32>
        %parallel_loop3A_502 = arith.index_cast %rem3A_239 : i32 to index
        %parallel_loop3A_503 = arith.index_cast %parallel_loop3A_300 : i32 to index
        %parallel_loop3A_504 = arith.constant 64 : index
        %parallel_loop3A_505 = tpu.vector_load %arg13[%parallel_loop3A_502, %parallel_loop3A_503, %parallel_loop3A_504] {strides = array<i32>} : memref<3x200x128xf32, #tpu.memory_space<vmem>>, vector<16xf32>,
        tpu.vector_store %arg13[%parallel_loop3A_502, %parallel_loop3A_503, %parallel_loop3A_504], %parallel_loop3A_501 {strides = array<i32>} : memref<3x200x128xf32, #tpu.memory_space<vmem>>, vector<16xf32>,
        %parallel_loop3A_506 = vector.broadcast %parallel_loop3A_418 : f32 to vector<16xf32>
        %parallel_loop3A_507 = arith.subf %parallel_loop3A_374, %parallel_loop3A_506 : vector<16xf32>
        %parallel_loop3A_508 = vector.broadcast %parallel_loop3A_455 : f32 to vector<16xf32>
        %parallel_loop3A_509 = arith.mulf %parallel_loop3A_508, %parallel_loop3A_306 : vector<16xf32>
        %parallel_loop3A_510 = arith.mulf %parallel_loop3A_507, %parallel_loop3A_509 : vector<16xf32>
        %parallel_loop3A_511 = arith.addf %parallel_loop3A_510, %parallel_loop3A_314 : vector<16xf32>
        %parallel_loop3A_512 = arith.index_cast %rem3A_239 : i32 to index
        %parallel_loop3A_513 = arith.index_cast %parallel_loop3A_300 : i32 to index
        %parallel_loop3A_514 = arith.constant 80 : index
        %parallel_loop3A_515 = tpu.vector_load %arg13[%parallel_loop3A_512, %parallel_loop3A_513, %parallel_loop3A_514] {strides = array<i32>} : memref<3x200x128xf32, #tpu.memory_space<vmem>>, vector<16xf32>,
        tpu.vector_store %arg13[%parallel_loop3A_512, %parallel_loop3A_513, %parallel_loop3A_514], %parallel_loop3A_511 {strides = array<i32>} : memref<3x200x128xf32, #tpu.memory_space<vmem>>, vector<16xf32>,
        %parallel_loop3A_516 = vector.broadcast %parallel_loop3A_418 : f32 to vector<16xf32>
        %parallel_loop3A_517 = arith.subf %parallel_loop3A_382, %parallel_loop3A_516 : vector<16xf32>
        %parallel_loop3A_518 = vector.broadcast %parallel_loop3A_455 : f32 to vector<16xf32>
        %parallel_loop3A_519 = arith.mulf %parallel_loop3A_518, %parallel_loop3A_307 : vector<16xf32>
        %parallel_loop3A_520 = arith.mulf %parallel_loop3A_517, %parallel_loop3A_519 : vector<16xf32>
        %parallel_loop3A_521 = arith.addf %parallel_loop3A_520, %parallel_loop3A_315 : vector<16xf32>
        %parallel_loop3A_522 = arith.index_cast %rem3A_239 : i32 to index
        %parallel_loop3A_523 = arith.index_cast %parallel_loop3A_300 : i32 to index
        %parallel_loop3A_524 = arith.constant 96 : index
        %parallel_loop3A_525 = tpu.vector_load %arg13[%parallel_loop3A_522, %parallel_loop3A_523, %parallel_loop3A_524] {strides = array<i32>} : memref<3x200x128xf32, #tpu.memory_space<vmem>>, vector<16xf32>,
        tpu.vector_store %arg13[%parallel_loop3A_522, %parallel_loop3A_523, %parallel_loop3A_524], %parallel_loop3A_521 {strides = array<i32>} : memref<3x200x128xf32, #tpu.memory_space<vmem>>, vector<16xf32>,
        %parallel_loop3A_526 = vector.broadcast %parallel_loop3A_418 : f32 to vector<16xf32>
        %parallel_loop3A_527 = arith.subf %parallel_loop3A_390, %parallel_loop3A_526 : vector<16xf32>
        %parallel_loop3A_528 = vector.broadcast %parallel_loop3A_455 : f32 to vector<16xf32>
        %parallel_loop3A_529 = arith.mulf %parallel_loop3A_528, %parallel_loop3A_308 : vector<16xf32>
        %parallel_loop3A_530 = arith.mulf %parallel_loop3A_527, %parallel_loop3A_529 : vector<16xf32>
        %parallel_loop3A_531 = arith.addf %parallel_loop3A_530, %parallel_loop3A_316 : vector<16xf32>
        %parallel_loop3A_532 = arith.index_cast %rem3A_239 : i32 to index
        %parallel_loop3A_533 = arith.index_cast %parallel_loop3A_300 : i32 to index
        %parallel_loop3A_534 = arith.constant 112 : index
        %parallel_loop3A_535 = tpu.vector_load %arg13[%parallel_loop3A_532, %parallel_loop3A_533, %parallel_loop3A_534] {strides = array<i32>} : memref<3x200x128xf32, #tpu.memory_space<vmem>>, vector<16xf32>,
        tpu.vector_store %arg13[%parallel_loop3A_532, %parallel_loop3A_533, %parallel_loop3A_534], %parallel_loop3A_531 {strides = array<i32>} : memref<3x200x128xf32, #tpu.memory_space<vmem>>, vector<16xf32>,
        scf.yield %parallel_loop3A_301, %parallel_loop3A_302, %parallel_loop3A_303, %parallel_loop3A_304, %parallel_loop3A_305, %parallel_loop3A_306, %parallel_loop3A_307, %parallel_loop3A_308, %parallel_loop3A_309, %parallel_loop3A_310, %parallel_loop3A_311, %parallel_loop3A_312, %parallel_loop3A_313, %parallel_loop3A_314, %parallel_loop3A_315, %parallel_loop3A_316 : vector<16xf32>, vector<16xf32>, vector<16xf32>, vector<16xf32>, vector<16xf32>, vector<16xf32>, vector<16xf32>, vector<16xf32>, vector<16xf32>, vector<16xf32>, vector<16xf32>, vector<16xf32>, vector<16xf32>, vector<16xf32>, vector<16xf32>, vector<16xf32>
      } {sc.loop_unroll_factor = 2 : i64, sc.parallel_access}
      %dma_start3A_288 = arith.constant 0 : i32
      %dma_start3A_289 = arith.constant 0 : i32
      %dma_start3A_290 = tpu.memref_slice %arg13[%rem3A_239, %dma_start3A_288, %dma_start3A_289] : memref<3x200x128xf32, #tpu.memory_space<vmem>> -> memref<1x200x128xf32, #tpu.memory_space<vmem>>
      %dma_start3A_291 = tpu.memref_squeeze %dma_start3A_290 : memref<1x200x128xf32, #tpu.memory_space<vmem>> -> memref<200x128xf32, #tpu.memory_space<vmem>>
      %dma_start3A_292 = arith.constant 0 : i32
      %dma_start3A_293 = tpu.memref_slice %arg9[%add3A_244, %dma_start3A_292] : memref<204800x128xf32, #tpu.memory_space<hbm>> -> memref<200x128xf32, #tpu.memory_space<hbm>>
      %dma_start3A_294 = arith.constant 0 : i32
      %dma_start3A_295 = tpu.memref_slice %arg9[%add3A_244, %dma_start3A_294] : memref<204800x128xf32, #tpu.memory_space<hbm>> -> memref<200x128xf32, #tpu.memory_space<hbm>>
      %dma_start3A_296 = arith.constant 0 : i32
      %dma_start3A_297 = arith.constant 0 : i32
      %dma_start3A_298 = tpu.memref_slice %arg13[%rem3A_239, %dma_start3A_296, %dma_start3A_297] : memref<3x200x128xf32, #tpu.memory_space<vmem>> -> memref<1x200x128xf32, #tpu.memory_space<vmem>>
      %dma_start3A_299 = tpu.memref_squeeze %dma_start3A_298 : memref<1x200x128xf32, #tpu.memory_space<vmem>> -> memref<200x128xf32, #tpu.memory_space<vmem>>
      tpu.enqueue_dma source(%dma_start3A_299 : memref<200x128xf32, #tpu.memory_space<vmem>>) target(%dma_start3A_295 : memref<200x128xf32, #tpu.memory_space<hbm>>) target_semaphore(%arg19 : memref<!tpu.dma_semaphore, #tpu.memory_space<semaphore_mem>>)
    }
    %scan3A_202 = arith.constant 32 : i32
    %rem3A_203 = arith.constant 30 : i32
    %rem3A_204 = arith.constant 3 : i32
    %rem3A_205 = arith.remsi %rem3A_203, %rem3A_204 : i32
    %add3A_206 = arith.constant 6000 : i32
    %add3A_207 = arith.addi %mul3A_2, %add3A_206 : i32
    %dma_wait3A_208 = arith.constant 0 : i32
    %dma_wait3A_209 = arith.constant 0 : i32
    %dma_wait3A_210 = tpu.memref_slice %arg13[%rem3A_205, %dma_wait3A_208, %dma_wait3A_209] : memref<3x200x128xf32, #tpu.memory_space<vmem>> -> memref<1x200x128xf32, #tpu.memory_space<vmem>>
    %dma_wait3A_211 = tpu.memref_squeeze %dma_wait3A_210 : memref<1x200x128xf32, #tpu.memory_space<vmem>> -> memref<200x128xf32, #tpu.memory_space<vmem>>
    %dma_wait3A_212 = arith.constant 0 : i32
    %dma_wait3A_213 = tpu.memref_slice %arg9[%add3A_207, %dma_wait3A_212] : memref<204800x128xf32, #tpu.memory_space<hbm>> -> memref<200x128xf32, #tpu.memory_space<hbm>>
    %dma_wait3A_214 = arith.constant 0 : i32
    %dma_wait3A_215 = tpu.memref_slice %arg9[%add3A_207, %dma_wait3A_214] : memref<204800x128xf32, #tpu.memory_space<hbm>> -> memref<200x128xf32, #tpu.memory_space<hbm>>
    %dma_wait3A_216 = arith.constant 0 : i32
    %dma_wait3A_217 = arith.constant 0 : i32
    %dma_wait3A_218 = tpu.memref_slice %arg13[%rem3A_205, %dma_wait3A_216, %dma_wait3A_217] : memref<3x200x128xf32, #tpu.memory_space<vmem>> -> memref<1x200x128xf32, #tpu.memory_space<vmem>>
    %dma_wait3A_219 = tpu.memref_squeeze %dma_wait3A_218 : memref<1x200x128xf32, #tpu.memory_space<vmem>> -> memref<200x128xf32, #tpu.memory_space<vmem>>
    tpu.wait_dma2 semaphore(%arg19 : memref<!tpu.dma_semaphore, #tpu.memory_space<semaphore_mem>>) src(%dma_wait3A_219 : memref<200x128xf32, #tpu.memory_space<vmem>>) dst(%dma_wait3A_215 : memref<200x128xf32, #tpu.memory_space<hbm>>)
    %rem3A_220 = arith.constant 31 : i32
    %rem3A_221 = arith.constant 3 : i32
    %rem3A_222 = arith.remsi %rem3A_220, %rem3A_221 : i32
    %add3A_223 = arith.constant 6200 : i32
    %add3A_224 = arith.addi %mul3A_2, %add3A_223 : i32
    %dma_wait3A_225 = arith.constant 0 : i32
    %dma_wait3A_226 = arith.constant 0 : i32
    %dma_wait3A_227 = tpu.memref_slice %arg13[%rem3A_222, %dma_wait3A_225, %dma_wait3A_226] : memref<3x200x128xf32, #tpu.memory_space<vmem>> -> memref<1x200x128xf32, #tpu.memory_space<vmem>>
    %dma_wait3A_228 = tpu.memref_squeeze %dma_wait3A_227 : memref<1x200x128xf32, #tpu.memory_space<vmem>> -> memref<200x128xf32, #tpu.memory_space<vmem>>
    %dma_wait3A_229 = arith.constant 0 : i32
    %dma_wait3A_230 = tpu.memref_slice %arg9[%add3A_224, %dma_wait3A_229] : memref<204800x128xf32, #tpu.memory_space<hbm>> -> memref<200x128xf32, #tpu.memory_space<hbm>>
    %dma_wait3A_231 = arith.constant 0 : i32
    %dma_wait3A_232 = tpu.memref_slice %arg9[%add3A_224, %dma_wait3A_231] : memref<204800x128xf32, #tpu.memory_space<hbm>> -> memref<200x128xf32, #tpu.memory_space<hbm>>
    %dma_wait3A_233 = arith.constant 0 : i32
    %dma_wait3A_234 = arith.constant 0 : i32
    %dma_wait3A_235 = tpu.memref_slice %arg13[%rem3A_222, %dma_wait3A_233, %dma_wait3A_234] : memref<3x200x128xf32, #tpu.memory_space<vmem>> -> memref<1x200x128xf32, #tpu.memory_space<vmem>>
    %dma_wait3A_236 = tpu.memref_squeeze %dma_wait3A_235 : memref<1x200x128xf32, #tpu.memory_space<vmem>> -> memref<200x128xf32, #tpu.memory_space<vmem>>
    tpu.wait_dma2 semaphore(%arg19 : memref<!tpu.dma_semaphore, #tpu.memory_space<semaphore_mem>>) src(%dma_wait3A_236 : memref<200x128xf32, #tpu.memory_space<vmem>>) dst(%dma_wait3A_232 : memref<200x128xf32, #tpu.memory_space<hbm>>)
    return
  }
}

</mosaic_0001>

<sc_bundles>
// kernel: kernel.3.cloned.1.call-start
scs
__scs_entry_jumppad:
0x0: {  	(pc) =	sbr.rel $0x88, $3  }
0x1: {  	(tag) =	ssettag $0x0;
	lr =	simm.s32 $0x1  }
0x2: {  	[smem:$0x3F9A] =	sst lr;
	_ =	strace $0xD0000000  }
0x3: {  	_ = 	snop  }
0x4: {  	_ = 	snop  }
0x5: {  	_ = 	snop  }
0x6: {  	_ = 	snop  }
0x7: {  	_ = 	snop  }
__scs_overlays_trampoline_lowered:
0x8: {  	[smem:$0x3FA9] =	sst s0  }
0x9: {  	[smem:$0x3FAA] =	sst s1  }
0xa: {  	[smem:$0x3FAB] =	sst s2  }
0xb: {  	[smem:$0x3FAC] =	sst s3  }
0xc: {  	[smem:$0x3FAD] =	sst s4  }
0xd: {  	[smem:$0x3FAE] =	sst s5  }
0xe: {  	[smem:$0x3FAF] =	sst s6  }
0xf: {  	[smem:$0x3FB0] =	sst s7  }
0x10: {  	[smem:$0x3FB1] =	sst s8  }
0x11: {  	[smem:$0x3FB2] =	sst s9;
	s0 =	simm.s32 @!p0 $0x0  }
0x12: {  	s1 =	sld [smem:$0x3F98];
	s0 =	simm.s32 @p0 $0x1  }
0x13: {  	[smem:$0x3FB3] =	sst s0;
	s0 =	simm.s32 @!p1 $0x0  }
0x14: {  	s2 =	sld [smem:$0x3F97];
	s0 =	simm.s32 @p1 $0x1  }
0x15: {  	[smem:$0x3FB4] =	sst s0;
	s0 =	simm.s32 @!p2 $0x0  }
0x16: {  	s3 =	sld [smem:$0x3FDB];
	s0 =	simm.s32 @p2 $0x1  }
0x17: {  	s4 =	simm.s32 $0x1BF5;
	[smem:$0x3FB6] =	sst s0  }
0x18: {  	s0 =	sld [smem:$0x3F99];
	_ =	swait.ge [sflag:s4], $0x0  }
0x19: {  	s7 =	sld [smem:$0x3F9A]  }
0x1a: {  	s8 =	sadd.s32 $0xFFFFE003, lr  }
0x1b: {  	s9 =	sadd.s32 $0xFFFFFEF7, lr;
	s5 =	simm.s32 $0xFFFFFFFF;
	p2 =	slt.u32 s8, $0xFFFFF086  }
0x1c: {  	p1 =	slt.u32 s9, $0xF7A;
	s5 =	simm.s32 @!p2 $0x0  }
0x1d: {  	s5 =	simm.s32 @p1 $0x1;
	p0 =	seq.s32 s7, s2  }
0x1e: {  	s7 =	smul.u32 @!p0 $0xF7A, s2;
	p2 =	seq.s32 @!p0 s5, $0x0  }
0x1f: {  	s9 =	smul.u32 $0xF7A, s1;
	s8 =	simm.s32 @!p0 $0x1BF5;
	p2 =	por !p2, p0  }
0x20: {  	[sflag:s8] =	ssyncset.s32 @!p0 $0xFFFFF086;
	s6 =	sadd.s32 @!p0 s3, s7;
	s7 =	simm.s32 @!p0 $0x108  }
0x21: {  	s3 =	sadd.s32 s3, s9;
	s6 =	sadd.s32 @!p0 $0x88, s6;
	s7 =	simm.s32 @p2 $0x1082  }
0x22: {  	[simem:s7], [sflag:s8] =	dma.local @!p0 [hbm:s6], $0xF7A  }
0x23: {  	s9 =	sor.u32 $0xD0000000, s2;
	s6 =	simm.s32 $0x108;
	_ =	swait.ge @!p0 [sflag:s8], $0x0  }
0x24: {  	s3 =	sadd.s32 $0x88, s3;
	s6 =	simm.s32 @!p1 $0x1082;
	[sflag:s4] =	ssyncset.s32 $0xFFFFF086  }
0x25: {  	[simem:s6], [sflag:s4] =	dma.local [hbm:s3], $0xF7A  }
0x26: {  	[smem:$0x3F9A] =	sst s1;
	(tag) =	ssettag s2;
	_ =	strace s9  }
0x27: {  	s1 =	sld [smem:$0x3FAA]  }
0x28: {  	s2 =	sld [smem:$0x3FAB]  }
0x29: {  	s4 =	sld [smem:$0x3FAD]  }
0x2a: {  	p0 =	seq.s32 s5, $0x0;
	s5 =	sld [smem:$0x3FAE]  }
0x2b: {  	s6 =	sld [smem:$0x3FAF]  }
0x2c: {  	s7 =	sld [smem:$0x3FB0]  }
0x2d: {  	s3 =	simm.s32 $0x108;
	s8 =	sld [smem:$0x3FB1]  }
0x2e: {  	s3 =	simm.s32 @!p0 $0x1082;
	s9 =	sld [smem:$0x3FB2]  }
0x2f: {  	lr =	sadd.s32 s0, s3;
	s0 =	sld [smem:$0x3FA9]  }
0x30: {  	s3 =	sld [smem:$0x3FAC]  }
0x31: {  	[smem:$0x3FB5] =	sst s10  }
0x32: {  	s10 =	sld [smem:$0x3FB3];
	_ =	sdelay $0x3  }
0x33: {  	p0 =	seq.s32 s10, $0x1;
	s10 =	sld [smem:$0x3FB5];
	_ =	sdelay $0x3  }
0x34: {  	[smem:$0x3FB5] =	sst s10  }
0x35: {  	s10 =	sld [smem:$0x3FB4];
	_ =	sdelay $0x3  }
0x36: {  	p1 =	seq.s32 s10, $0x1;
	s10 =	sld [smem:$0x3FB5];
	_ =	sdelay $0x3  }
0x37: {  	[smem:$0x3FB5] =	sst s10  }
0x38: {  	s10 =	sld [smem:$0x3FB6]  }
0x39: {  	_ = 	snop;
	(pc) =	sbr.ind lr, $3  }
0x3a: {  	_ = 	snop  }
0x3b: {  	_ = 	snop  }
0x3c: {  	p2 =	seq.s32 s10, $0x1;
	s10 =	sld [smem:$0x3FB5]  }
0x3d: {  	_ =	shalt  }
0x3e: {  	_ =	shalt  }
0x3f: {  	_ =	shalt  }
0x40: {  	_ =	shalt  }
0x41: {  	_ =	shalt  }
0x42: {  	_ =	shalt  }
0x43: {  	_ =	shalt  }
0x44: {  	_ =	shalt  }
0x45: {  	_ =	shalt  }
0x46: {  	_ =	shalt  }
0x47: {  	_ =	shalt  }
0x48: {  	_ =	shalt  }
0x49: {  	_ =	shalt  }
0x4a: {  	_ =	shalt  }
0x4b: {  	_ =	shalt  }
0x4c: {  	_ =	shalt  }
0x4d: {  	_ =	shalt  }
0x4e: {  	_ =	shalt  }
0x4f: {  	_ =	shalt  }
0x50: {  	_ =	shalt  }
0x51: {  	_ =	shalt  }
0x52: {  	_ =	shalt  }
0x53: {  	_ =	shalt  }
0x54: {  	_ =	shalt  }
0x55: {  	_ =	shalt  }
0x56: {  	_ =	shalt  }
0x57: {  	_ =	shalt  }
0x58: {  	_ =	shalt  }
0x59: {  	_ =	shalt  }
0x5a: {  	_ =	shalt  }
0x5b: {  	_ =	shalt  }
0x5c: {  	_ =	shalt  }
0x5d: {  	_ =	shalt  }
0x5e: {  	_ =	shalt  }
0x5f: {  	_ =	shalt  }
0x60: {  	_ =	shalt  }
0x61: {  	_ =	shalt  }
0x62: {  	_ =	shalt  }
0x63: {  	_ =	shalt  }
0x64: {  	_ =	shalt  }
0x65: {  	_ =	shalt  }
0x66: {  	_ =	shalt  }
0x67: {  	_ =	shalt  }
0x68: {  	_ =	shalt  }
0x69: {  	_ =	shalt  }
0x6a: {  	_ =	shalt  }
0x6b: {  	_ =	shalt  }
0x6c: {  	_ =	shalt  }
0x6d: {  	_ =	shalt  }
0x6e: {  	_ =	shalt  }
0x6f: {  	_ =	shalt  }
0x70: {  	_ =	shalt  }
0x71: {  	_ =	shalt  }
0x72: {  	_ =	shalt  }
0x73: {  	_ =	shalt  }
0x74: {  	_ =	shalt  }
0x75: {  	_ =	shalt  }
0x76: {  	_ =	shalt  }
0x77: {  	_ =	shalt  }
0x78: {  	_ =	shalt  }
0x79: {  	_ =	shalt  }
0x7a: {  	_ =	shalt  }
0x7b: {  	_ =	shalt  }
0x7c: {  	_ =	shalt  }
0x7d: {  	_ =	shalt  }
0x7e: {  	_ =	shalt  }
0x7f: {  	_ =	shalt  }
0x80: {  	_ =	shalt  }
0x81: {  	_ =	shalt  }
0x82: {  	_ =	shalt  }
0x83: {  	_ =	shalt  }
0x84: {  	_ =	shalt  }
0x85: {  	_ =	shalt  }
0x86: {  	_ =	shalt  }
0x87: {  	_ =	shalt  }
.Lfunc_end0:
.L_simem_size_0:
called_computation_lowered:
.L_overlay_start_0:
0x88: {  	s2 =	sld [smem:$0x3FD9]  }
0x89: {  	s3 =	sld [smem:$0x3FFE];
	_ =	sdelay $0x1  }
0x8a: {  	s1 =	srdreg.scid  }
0x8b: {  	s0 =	sand.u32 $0x1, s1  }
0x8c: {  	s17 =	sshll.u32 s0, $0xA;
	s2 =	sadd.s32 s3, s2  }
0x8d: {  	s2 =	sadd.s32 s2, s17  }
0x8e: {  	[smem:$0x3FC1] =	sst s2  }
0x8f: {  	_ = 	snop  }
0x90: {  	s2 =	sld [smem:$0x3FC7]  }
0x91: {  	s18 =	sld [smem:$0x3FC6]  }
0x92: {  	s4 =	sld [smem:$0x3FC5]  }
0x93: {  	s5 =	sld [smem:$0x3FC4]  }
0x94: {  	s6 =	sld [smem:$0x3FC3]  }
0x95: {  	s7 =	sld [smem:$0x3FD0];
	(tm) =	ssettm $0x1  }
0x96: {  	s8 =	sld [smem:$0x3FFB];
	_ =	sdelay $0x3  }
0x97: {  	_ =	strace s8  }
0x98: {  	s8 =	sld [smem:$0x3FFC];
	_ =	sdelay $0x3  }
0x99: {  	_ =	strace s8  }
0x9a: {  	s8 =	sld [smem:$0x3FFD];
	_ =	sdelay $0x3  }
0x9b: {  	_ =	strace s8  }
0x9c: {  	_ =	strace $0x8FFFFFFF  }
0x9d: {  	s19 =	sld [smem:$0x3FDB];
	_ =	sdelay $0x1  }
0x9e: {  	s9 =	simm.s32 $_scs_section_size  }
0x9f: {  	s10 =	simm.s32 $_size__tile_overlayer_lowered;
	s11 =	simm.s32 $_tile_overlayer_lowered  }
0xa0: {  	s22 =	simm.s32 $0x1BFF;
	s21 =	sshll.u32 s11, $0x1;
	s8 =	sadd.s32 s9, s19  }
0xa1: {  	s12 =	simm.s32 $0x0;
	s20 =	sshll.u32 s10, $0x1;
	s10 =	sadd.s32 s21, s8  }
0xa2: {  	[timem:s12], [sflag:s22] =	dma.local [hbm:s10], s20  }
0xa3: {  	_ =	swait.ge [sflag:s22], s20  }
0xa4: {  	s9 =	ssub.s32 $0x0, s20;
	[sflag:s22] =	ssyncset.done $0x0  }
0xa5: {  	[sflag:s22] =	ssyncadd.s32 s9;
	_ =	sdelay $0x1  }
0xa6: {  	s23 =	simm.s32 $0x1B8B  }
0xa7: {  	_ =	swait.ge [sflag:s23], $0x1  }
0xa8: {  	[sflag:s23] =	ssyncset.done $0x0  }
0xa9: {  	s25 =	simm.s32 $0x1B8E;
	s24 =	sld [smem:$0x3FFE];
	[sflag:s23] =	ssyncadd.s32 $0xFFFFFFFF  }
0xaa: {  	s26 =	simm.s32 $execute0_lowered;
	[smem:$0x3FD2] =	sst s25  }
0xab: {  	s10 =	sshll.u32 s26, $0x1;
	_ =	strace $0x80000046;
	[dreg:$0x1] =	wrdreg $0xFFFFFFFF  }
0xac: {  	s28 =	simm.s32 $_size_execute0_lowered;
	s8 =	sadd.s32 s8, s10;
	[dreg:$0x0] =	wrdreg $0x0  }
0xad: {  	s10 =	sshll.u32 s28, $0x1;
	[dreg:$0x2] =	wrdreg s8  }
0xae: {  	[dreg:$0x3] =	wrdreg s10  }
0xaf: {  	[dreg:$0x4] =	wrdreg $0xC0  }
0xb0: {  	_ =	task [dreg:s12], $0x5FFFF  }
0xb1: {  	[dreg:$0x1] =	wrdreg $0xFFFFFFFF  }
0xb2: {  	[dreg:$0x0] =	wrdreg $0x60  }
0xb3: {  	[dreg:$0x2] =	wrdreg s24  }
0xb4: {  	[dreg:$0x3] =	wrdreg s2  }
0xb5: {  	[dreg:$0x4] =	wrdreg s18  }
0xb6: {  	[dreg:$0x5] =	wrdreg s4  }
0xb7: {  	[dreg:$0x6] =	wrdreg s5  }
0xb8: {  	[dreg:$0x7] =	wrdreg s6  }
0xb9: {  	[dreg:$0x8] =	wrdreg s7  }
0xba: {  	[dreg:$0x9] =	wrdreg $0x9  }
0xbb: {  	_ =	task.clear_ibuf [dreg:s12], $0xAFFFF;
	_ =	strace $0x90000046  }
0xbc: {  	s29 =	simm.s32 $0x9;
	_ =	strace $0x80000048  }
0xbd: {  	_ =	swait.ge [sflag:s29], $0x1  }
0xbe: {  	[sflag:s29] =	ssyncadd.s32 $0xFFFFFFFF  }
0xbf: {  	_ =	strace $0x90000048  }
0xc0: {  	_ =	sfence  }
0xc1: {  	s30 =	sld [smem:$0x0];
	_ =	sdelay $0x2  }
0xc2: {  	s31 =	sshll.u32 s1, $0xD;
	s1 =	sshrl.u32 s1, $0x2  }
0xc3: {  	s3 =	sand.u32 $0x4000, s31;
	s1 =	sadd.s32 s1, s30  }
0xc4: {  	s0 =	sor.u32 s3, s0;
	s1 =	sshll.u32 s1, $0x11  }
0xc5: {  	s0 =	sor.u32 s1, s0  }
0xc6: {  	s0 =	sadd.s32 $0x8F2B, s0  }
0xc7: {  	[sflag:s0] =	ssyncadd.remote.s32 $0x1  }
0xc8: {  	_ =	sfence.sel $0xFFFF  }
0xc9: {  	[dreg:$0x0] =	wrdreg $0xFFFFFFFF;
	(pc) =	sbr.abs _section_cstart, $3  }
0xca: {  	[dreg:$0x1] =	wrdreg $0xFFFFFFFF  }
0xcb: {  	_ =	task.clear_ibuf [dreg:s12], $0x2FFFF;
	_ =	strace $0x9FFFFFFF  }
0xcc: {  	(tm) =	ssettm $0x7FFFFFFF  }
0xcd: {  	_ =	shalt  }
tec
execute0_lowered:
.L_overlay_start_1:
0x0: {  	(tag) =	ssettag $0x1  }
0x1: {  	s1 =	rddreg [dreg:$0x0]  }
0x2: {  	s0 =	rddreg [dreg:$0x1];
	s2 =	srdreg.scid  }
0x3: {  	s3 =	stileid.u32;
	s7 =	rddreg [dreg:$0x6]  }
0x4: {  	s8 =	simm.s32 $0x0;
	s2 =	sand.u32 $0x1, s2;
	s3 =	sshll.u32 s3, $0x1  }
0x5: {  	s19 =	simm.s32 $0x4;
	s3 =	sor.u32 s2, s3;
	s2 =	ssub.s32 $0x2, s2  }
0x6: {  	s30 =	simm.s32 $0x3;
	s9 =	smul.u32 $0x1900, s3;
	s24 =	sshrl.u32 s2, $0x1  }
0x7: {  	s10 =	sadd.s32 $0x400, s1;
	s11 =	sadd.s32 $0x6800, s1;
	s1 =	ssub.s32 s2, s24  }
0x8: {  	[smem:$0x7FF] =	sst s8;
	s3 =	sshrl.u32 s9, $0x3;
	s1 =	smax.u32 s1, $0x1  }
0x9: {  	_ =	strace $0x80000047;
	s4 =	sadd.s32 s10, s3;
	[dreg:$0xe] =	wrdreg s1  }
0xa: {  	s26 =	sadd.s32 $0x148, s9;
	s28 =	sadd.s32 s11, s3;
	[dreg:$0x8] =	wrdreg s4  }
0xb: {  	s3 =	sor.u32 $0x19, s3;
	s25 =	sadd.s32 $0x10, s4;
	[dreg:$0xa] =	wrdreg s28  }
0xc: {  	s2 =	sshrl.u32 s26, $0x3;
	s29 =	sadd.s32 s10, s3;
	[dreg:$0x9] =	wrdreg s25  }
0xd: {  	s5 =	simm.s32 $0x48;
	s2 =	sadd.s32 s10, s2;
	[dreg:$0xb] =	wrdreg s29  }
0xe: {  	s6 =	simm.s32 $0x0;
	s31 =	sadd.s32 s11, s3;
	[dreg:$0xc] =	wrdreg s2  }
0xf: {  	s26 =	simm.s32 $0x80;
	s3 =	simm.s32 $0x1;
	[dreg:$0xd] =	wrdreg s31  }
.LBB2_1:
0x10: {  	s20 =	simm.s32 $0x13180;
	s1 =	rddreg [dreg:$0x2]  }
0x11: {  	[tilespmem:s20], [sflag:$0x4] =	stream.linear.gather [hbm4b:s1+s8], $0x6400, $0x38;
	[tilespmem:$0x1FB80] =	vst v63  }
0x12: {  	_ =	swait.ge [sflag:s19], $0x6400  }
0x13: {  	[sflag:s19] =	ssyncset.done $0x0  }
0x14: {  	s2 =	simm.s32 $0x19580;
	[sflag:s19] =	ssyncadd.s32 $0xFFFF9C00  }
0x15: {  	[tilespmem:s2], [sflag:$0x4] =	stream.linear.gather [hbm4b:s1+s8], $0x6400, $0x38;
	[tilespmem:$0x1FB80] =	vst v63  }
0x16: {  	_ =	swait.ge [sflag:s19], $0x6400  }
0x17: {  	[sflag:s19] =	ssyncset.done $0x0  }
0x18: {  	[sflag:s19] =	ssyncadd.s32 $0xFFFF9C00  }
0x19: {  	s4 =	simm.s32 $0x1F980;
	s2 =	rddreg [dreg:$0x3]  }
0x1a: {  	[tilespmem:s4], [sflag:$0x4] =	stream.linear.gather [hbm4b:s2+s8], $0x100, $0x38;
	[tilespmem:$0x1FB80] =	vst v63  }
0x1b: {  	_ =	swait.ge [sflag:s19], $0x100  }
0x1c: {  	[sflag:s19] =	ssyncset.done $0x0  }
0x1d: {  	[sflag:s19] =	ssyncadd.s32 $0xFFFFFF00  }
0x1e: {  	s13 =	simm.s32 $0x1FA80;
	s12 =	rddreg [dreg:$0x4]  }
0x1f: {  	[tilespmem:s13], [sflag:$0x4] =	stream.linear.gather [hbm4b:s12+s8], $0x80, $0x38;
	[tilespmem:$0x1FB80] =	vst v63  }
0x20: {  	_ =	swait.ge [sflag:s19], $0x80  }
0x21: {  	[sflag:s19] =	ssyncset.done $0x0  }
0x22: {  	[sflag:s19] =	ssyncadd.s32 $0xFFFFFF80  }
0x23: {  	s15 =	simm.s32 $0x1FB00;
	s14 =	rddreg [dreg:$0x5]  }
0x24: {  	[tilespmem:s15], [sflag:$0x4] =	stream.linear.gather [hbm4b:s14+s8], $0x80, $0x38;
	[tilespmem:$0x1FB80] =	vst v63  }
0x25: {  	_ =	swait.ge [sflag:s19], $0x80  }
0x26: {  	[sflag:s19] =	ssyncset.done $0x0  }
0x27: {  	[sflag:s19] =	ssyncadd.s32 $0xFFFFFF80  }
0x28: {  	v16 =	vld [tilespmem:$0x1F980]  }
0x29: {  	v17 =	vld [tilespmem:$0x1F990]  }
0x2a: {  	v18 =	vld [tilespmem:$0x1F9A0]  }
0x2b: {  	v19 =	vld [tilespmem:$0x1F9B0]  }
0x2c: {  	v20 =	vld [tilespmem:$0x1F9C0]  }
0x2d: {  	v21 =	vld [tilespmem:$0x1F9D0]  }
0x2e: {  	v23 =	vld [tilespmem:$0x1F9E0]  }
0x2f: {  	v25 =	vld [tilespmem:$0x1F9F0]  }
0x30: {  	v27 =	vld [tilespmem:$0x1FA00]  }
0x31: {  	v29 =	vld [tilespmem:$0x1FA10]  }
0x32: {  	v30 =	vld [tilespmem:$0x1FA20]  }
0x33: {  	v28 =	vld [tilespmem:$0x1FA30]  }
0x34: {  	v26 =	vld [tilespmem:$0x1FA40]  }
0x35: {  	v24 =	vld [tilespmem:$0x1FA50]  }
0x36: {  	v22 =	vld [tilespmem:$0x1FA60]  }
0x37: {  	v31 =	vld [tilespmem:$0x1FA70]  }
0x38: {  	v11 =	vld [tilespmem:$0x1FA80]  }
0x39: {  	v14 =	vld [tilespmem:$0x1FA90]  }
0x3a: {  	v42 =	vld [tilespmem:$0x1FAA0]  }
0x3b: {  	v43 =	vld [tilespmem:$0x1FAB0]  }
0x3c: {  	v44 =	vld [tilespmem:$0x1FAC0]  }
0x3d: {  	v34 =	vld [tilespmem:$0x1FAD0]  }
0x3e: {  	v12 =	vld [tilespmem:$0x1FAE0]  }
0x3f: {  	v13 =	vld [tilespmem:$0x1FAF0]  }
0x40: {  	v15 =	vld [tilespmem:$0x1FB00]  }
0x41: {  	v35 =	vld [tilespmem:$0x1FB10]  }
0x42: {  	v36 =	vld [tilespmem:$0x1FB20]  }
0x43: {  	v37 =	vld [tilespmem:$0x1FB30]  }
0x44: {  	v38 =	vld [tilespmem:$0x1FB40]  }
0x45: {  	v39 =	vld [tilespmem:$0x1FB50]  }
0x46: {  	s16 =	rddreg [dreg:$0x8];
	v40 =	vld [tilespmem:$0x1FB60]  }
0x47: {  	v41 =	vld [tilespmem:$0x1FB70];
	[tilespmem:s8], [sflag:$0x3] =	stream.linear.gather [hbm4b:s16+s8], $0x80, $0x38  }
0x48: {  	s18 =	simm.s32 $0x180;
	s17 =	rddreg [dreg:$0x9]  }
0x49: {  	[tilespmem:s18], [sflag:$0x3] =	stream.linear.gather [hbm4b:s17+s8], $0x48, $0x38;
	[tilespmem:$0x1FB80] =	vst v63  }
0x4a: {  	s4 =	simm.s32 $0x280;
	s21 =	rddreg [dreg:$0xa]  }
0x4b: {  	[tilespmem:s4], [sflag:$0x3] =	stream.linear.gather [hbm4b:s21+s8], $0xC8, $0x38;
	[tilespmem:$0x1FB80] =	vst v63  }
0x4c: {  	s22 =	rddreg [dreg:$0xb]  }
0x4d: {  	[tilespmem:s26], [sflag:$0x3] =	stream.linear.gather [hbm4b:s22+s8], $0x80, $0x38;
	[tilespmem:$0x1FB80] =	vst v63  }
0x4e: {  	s24 =	simm.s32 $0x1D0;
	s23 =	rddreg [dreg:$0xc]  }
0x4f: {  	[tilespmem:s24], [sflag:$0x3] =	stream.linear.gather [hbm4b:s23+s8], $0x48, $0x38;
	[tilespmem:$0x1FB80] =	vst v63  }
0x50: {  	s28 =	simm.s32 $0x358;
	s25 =	rddreg [dreg:$0xd]  }
0x51: {  	[tilespmem:s28], [sflag:$0x3] =	stream.linear.gather [hbm4b:s25+s8], $0xC8, $0x38;
	[tilespmem:$0x1FB80] =	vst v63  }
0x52: {  	_ =	swait.ge [sflag:s30], $0x80  }
0x53: {  	[sflag:s30] =	ssyncset.done $0x0  }
0x54: {  	[sflag:s30] =	ssyncadd.s32 $0xFFFFFF80  }
0x55: {  	_ =	swait.ge [sflag:s30], $0x48  }
0x56: {  	[sflag:s30] =	ssyncset.done $0x0  }
0x57: {  	[sflag:s30] =	ssyncadd.s32 $0xFFFFFFB8  }
0x58: {  	_ =	swait.ge [sflag:s30], $0xC8  }
0x59: {  	[sflag:s30] =	ssyncset.done $0x0  }
0x5a: {  	s29 =	simm.s32 $0x580;
	[sflag:s30] =	ssyncadd.s32 $0xFFFFFF38  }
0x5b: {  	[tilespmem:s29], [sflag:$0x1] =	stream.indirect.gather [hbm4b:s0+s26], $0x80, s8, s26, $0xb8;
	[tilespmem:$0x1FB80] =	vst v63  }
0x5c: {  	s31 =	simm.s32 $0x4580  }
0x5d: {  	[tilespmem:s31], [sflag:$0x1] =	stream.indirect.gather [hbm4b:s0+s5], $0x80, s18, s5, $0xb8;
	[tilespmem:$0x1FB80] =	vst v63  }
0x5e: {  	v0 =	vld [tilespmem:s20+$0x10]  }
0x5f: {  	v1 =	vld [tilespmem:s20+$0x20]  }
0x60: {  	v2 =	vld [tilespmem:s20+$0x30]  }
0x61: {  	v3 =	vld [tilespmem:s20+$0x40]  }
0x62: {  	v4 =	vld [tilespmem:s20+$0x50]  }
0x63: {  	v5 =	vld [tilespmem:s20+$0x60]  }
0x64: {  	v6 =	vld [tilespmem:s20+$0x70];
	v0 =	vadd.f32 v0, v17  }
0x65: {  	v7 =	vld [tilespmem:s20+$0x65F0];
	v1 =	vadd.f32 v1, v18  }
0x66: {  	v8 =	vld [tilespmem:s20+$0x80];
	v2 =	vadd.f32 v2, v19;
	[tilespmem:s20+$0x10] =	vst v0  }
0x67: {  	v9 =	vld [tilespmem:s20+$0x90];
	v3 =	vadd.f32 v3, v20;
	[tilespmem:s20+$0x20] =	vst v1  }
0x68: {  	v32 =	vld [tilespmem:s20+$0xB0];
	v4 =	vadd.f32 v4, v21;
	[tilespmem:s20+$0x30] =	vst v2  }
0x69: {  	v33 =	vld [tilespmem:s20+$0xC0];
	v5 =	vadd.f32 v5, v23;
	[tilespmem:s20+$0x40] =	vst v3  }
0x6a: {  	v10 =	vld [tilespmem:s20+$0xA0];
	v7 =	vadd.f32 v7, v31;
	[tilespmem:s20+$0x50] =	vst v4  }
0x6b: {  	v61 =	vld [tilespmem:s20+$0x6500];
	v6 =	vadd.f32 v6, v25;
	[tilespmem:s20+$0x60] =	vst v5  }
0x6c: {  	v9 =	vadd.f32 v9, v17;
	v0 =	vld [tilespmem:s20+$0x6400];
	[tilespmem:s20+$0x65F0] =	vst v7  }
0x6d: {  	v32 =	vadd.f32 v32, v19;
	v1 =	vld [tilespmem:s20+$0x6410];
	[tilespmem:s20+$0x70] =	vst v6  }
0x6e: {  	v33 =	vadd.f32 v33, v20;
	v2 =	vld [tilespmem:s20+$0x6420];
	[tilespmem:s20+$0x90] =	vst v9  }
0x6f: {  	v7 =	vadd.f32 v8, v16;
	v8 =	vld [tilespmem:s20+$0xD0];
	[tilespmem:s20+$0xB0] =	vst v32  }
0x70: {  	v6 =	vld [tilespmem:s20+$0xE0];
	[tilespmem:s20+$0xC0] =	vst v33;
	v33 =	vadd.f32 v61, v27  }
0x71: {  	v3 =	vld [tilespmem:s20+$0x6430];
	[tilespmem:s20+$0x80] =	vst v7;
	v0 =	vadd.f32 v0, v27  }
0x72: {  	v4 =	vld [tilespmem:s20+$0x6440];
	[tilespmem:s20+$0x6500] =	vst v33;
	v1 =	vadd.f32 v1, v29  }
0x73: {  	v5 =	vld [tilespmem:s20+$0x6450];
	v2 =	vadd.f32 v2, v30;
	[tilespmem:s20+$0x6400] =	vst v0  }
0x74: {  	v7 =	vld [tilespmem:s20+$0x6460];
	v8 =	vadd.f32 v8, v21;
	[tilespmem:s20+$0x6410] =	vst v1  }
0x75: {  	v9 =	vld [tilespmem:s20+$0x6470];
	v6 =	vadd.f32 v6, v23;
	[tilespmem:s20+$0x6420] =	vst v2  }
0x76: {  	v0 =	vld [tilespmem:s20+$0xF0];
	v1 =	vadd.f32 v3, v28;
	[tilespmem:s20+$0xD0] =	vst v8  }
0x77: {  	v3 =	vld [tilespmem:s20+$0x6480];
	v2 =	vadd.f32 v4, v26;
	[tilespmem:s20+$0xE0] =	vst v6  }
0x78: {  	v4 =	vld [tilespmem:s20+$0x100];
	[tilespmem:s20+$0x6430] =	vst v1;
	v1 =	vadd.f32 v5, v24  }
0x79: {  	v8 =	vld [tilespmem:s20+$0x6510];
	[tilespmem:s20+$0x6440] =	vst v2;
	v2 =	vadd.f32 v7, v22  }
0x7a: {  	v6 =	vld [tilespmem:s20+$0x6520];
	[tilespmem:s20+$0x6450] =	vst v1;
	v1 =	vadd.f32 v9, v31  }
0x7b: {  	v5 =	vld [tilespmem:s20+$0x110];
	[tilespmem:s20+$0x6460] =	vst v2;
	v2 =	vadd.f32 v10, v18  }
0x7c: {  	v7 =	vld [tilespmem:s20+$0x120];
	v0 =	vadd.f32 v0, v25;
	[tilespmem:s20+$0x6470] =	vst v1  }
0x7d: {  	v9 =	vld [tilespmem:s20+$0x130];
	v3 =	vadd.f32 v3, v27;
	[tilespmem:s20+$0xA0] =	vst v2  }
0x7e: {  	v10 =	vld [tilespmem:s20+$0x140];
	v8 =	vadd.f32 v8, v29;
	[tilespmem:s20+$0xF0] =	vst v0  }
0x7f: {  	v6 =	vadd.f32 v6, v30;
	v1 =	vadd.f32 v4, v16;
	v4 =	vld [tilespmem:s20+$0x150];
	[tilespmem:s20+$0x6480] =	vst v3  }
0x80: {  	v2 =	vld [tilespmem:s20+$0x160];
	[tilespmem:s20+$0x6510] =	vst v8  }
0x81: {  	v5 =	vadd.f32 v5, v17;
	v0 =	vld [tilespmem:s20+$0x6530];
	[tilespmem:s20+$0x6520] =	vst v6  }
0x82: {  	v7 =	vadd.f32 v7, v18;
	v3 =	vld [tilespmem:s20+$0x6540];
	[tilespmem:s20+$0x100] =	vst v1  }
0x83: {  	v8 =	vld [tilespmem:s20+$0x6580];
	[tilespmem:s20+$0x110] =	vst v5;
	v9 =	vadd.f32 v9, v19  }
0x84: {  	v1 =	vld [tilespmem:s20+$0x6490];
	[tilespmem:s20+$0x120] =	vst v7;
	v10 =	vadd.f32 v10, v20  }
0x85: {  	v5 =	vld [tilespmem:s20+$0x64A0];
	[tilespmem:s20+$0x130] =	vst v9;
	v4 =	vadd.f32 v4, v21  }
0x86: {  	v7 =	vld [tilespmem:s20+$0x64B0];
	[tilespmem:s20+$0x140] =	vst v10;
	v2 =	vadd.f32 v2, v23  }
0x87: {  	v9 =	vld [tilespmem:s20+$0x64C0];
	v0 =	vadd.f32 v0, v28;
	[tilespmem:s20+$0x150] =	vst v4  }
0x88: {  	v10 =	vld [tilespmem:s20+$0x64D0];
	v3 =	vadd.f32 v3, v26;
	[tilespmem:s20+$0x160] =	vst v2  }
0x89: {  	v4 =	vld [tilespmem:s20+$0x64E0];
	v1 =	vadd.f32 v1, v29;
	[tilespmem:s20+$0x6530] =	vst v0  }
0x8a: {  	v2 =	vld [tilespmem:s20+$0x64F0];
	v5 =	vadd.f32 v5, v30;
	[tilespmem:s20+$0x6540] =	vst v3  }
0x8b: {  	[tilespmem:s20+$0x6490] =	vst v1;
	v1 =	vadd.f32 v7, v28  }
0x8c: {  	v60 =	vld [tilespmem:s20+$0x170];
	v8 =	vadd.f32 v8, v27;
	[tilespmem:s20+$0x64A0] =	vst v5  }
0x8d: {  	v5 =	vadd.f32 v9, v26;
	v9 =	vld [tilespmem:s20+$0x180];
	[tilespmem:s20+$0x64B0] =	vst v1;
	v1 =	vadd.f32 v10, v24  }
0x8e: {  	[tilespmem:s20+$0x6580] =	vst v8;
	v10 =	vld [tilespmem:s20+$0x190]  }
0x8f: {  	v4 =	vadd.f32 v4, v22;
	[tilespmem:s20+$0x64D0] =	vst v1;
	v1 =	vadd.f32 v2, v31;
	v2 =	vld [tilespmem:s20+$0x1B0]  }
0x90: {  	[tilespmem:s20+$0x64C0] =	vst v5;
	v5 =	vld [tilespmem:s20+$0x1A0]  }
0x91: {  	v62 =	vld [tilespmem:s20+$0x1C0];
	[tilespmem:s20+$0x64E0] =	vst v4;
	v4 =	vadd.f32 v60, v25  }
0x92: {  	v7 =	vld [tilespmem:s20+$0x6550];
	[tilespmem:s20+$0x64F0] =	vst v1;
	v1 =	vadd.f32 v9, v16  }
0x93: {  	v9 =	vld [tilespmem:s20+$0x1D0];
	[tilespmem:s20+$0x170] =	vst v4;
	v10 =	vadd.f32 v10, v17  }
0x94: {  	[tilespmem:s20+$0x180] =	vst v1;
	v1 =	vld [tilespmem:s20+$0x6560];
	v2 =	vadd.f32 v2, v19  }
0x95: {  	v4 =	vld [tilespmem:s20+$0x1E0];
	v5 =	vadd.f32 v5, v18;
	[tilespmem:s20+$0x190] =	vst v10  }
0x96: {  	v10 =	vld [tilespmem:s20+$0x6570];
	[tilespmem:s20+$0x1B0] =	vst v2;
	v2 =	vadd.f32 v62, v20  }
0x97: {  	v63 =	vld [tilespmem:s20+$0x1F0];
	v7 =	vadd.f32 v7, v24;
	[tilespmem:s20+$0x1A0] =	vst v5  }
0x98: {  	v5 =	vld [tilespmem:s20+$0x6590];
	[tilespmem:s20+$0x1C0] =	vst v2;
	v2 =	vadd.f32 v9, v21  }
0x99: {  	v6 =	vld [tilespmem:s20+$0x65A0];
	[tilespmem:s20+$0x6550] =	vst v7;
	v3 =	vadd.f32 v1, v22  }
0x9a: {  	v0 =	vld [tilespmem:s20+$0x65B0];
	[tilespmem:s20+$0x1D0] =	vst v2;
	v2 =	vadd.f32 v4, v23  }
0x9b: {  	v1 =	vld [tilespmem:s20+$0x65C0];
	v7 =	vadd.f32 v10, v31;
	[tilespmem:s20+$0x6560] =	vst v3  }
0x9c: {  	v4 =	vadd.f32 v63, v25;
	[tilespmem:s20+$0x1E0] =	vst v2;
	v2 =	vld [tilespmem:s20+$0x65D0]  }
0x9d: {  	v3 =	vld [tilespmem:s20+$0x65E0];
	v5 =	vadd.f32 v5, v29;
	[tilespmem:s20+$0x6570] =	vst v7  }
0x9e: {  	s1 =	simm.s32 $0x0;
	s2 =	simm.s32 $0x13380;
	v6 =	vadd.f32 v6, v30;
	[tilespmem:s20+$0x1F0] =	vst v4;
	v4 =	vld [tilespmem:s20+$0x0]  }
.LBB2_2:
0x9f: {  	v7 =	vld [tilespmem:s2+$0x65F0];
	s1 =	sadd.s32 $0x4, s1;
	[tilespmem:s20+$0x6590] =	vst v5;
	v0 =	vadd.f32 v0, v28  }
0xa0: {  	v5 =	vld [tilespmem:s2+$0x10];
	p0 =	slt.u32 s1, $0xC4;
	[tilespmem:s20+$0x65A0] =	vst v6;
	v1 =	vadd.f32 v1, v26  }
0xa1: {  	v6 =	vld [tilespmem:s2+$0x20];
	[tilespmem:s20+$0x65B0] =	vst v0;
	v0 =	vadd.f32 v2, v24  }
0xa2: {  	v2 =	vld [tilespmem:s2+$0x30];
	[tilespmem:s20+$0x65C0] =	vst v1;
	v1 =	vadd.f32 v3, v22  }
0xa3: {  	v3 =	vld [tilespmem:s2+$0x40];
	v4 =	vadd.f32 v4, v16;
	[tilespmem:s20+$0x65D0] =	vst v0  }
0xa4: {  	v0 =	vld [tilespmem:s2+$0x50];
	v7 =	vadd.f32 v7, v31;
	[tilespmem:s20+$0x65E0] =	vst v1  }
0xa5: {  	v1 =	vadd.f32 v5, v17;
	v5 =	vld [tilespmem:s2+$0x60];
	[tilespmem:s20+$0x0] =	vst v4;
	s20 =	smov.u32 s2  }
0xa6: {  	s25 =	simm.s32 $0x0;
	v4 =	vadd.f32 v6, v18;
	v6 =	vld [tilespmem:s2+$0x70];
	[tilespmem:s2+$0x65F0] =	vst v7  }
0xa7: {  	[tilespmem:s2+$0x10] =	vst v1;
	v1 =	vadd.f32 v2, v19;
	v2 =	vld [tilespmem:s2+$0x6400]  }
0xa8: {  	[tilespmem:s2+$0x20] =	vst v4;
	v3 =	vadd.f32 v3, v20;
	v4 =	vld [tilespmem:s2+$0x6410]  }
0xa9: {  	[tilespmem:s2+$0x30] =	vst v1;
	v0 =	vadd.f32 v0, v21;
	v1 =	vld [tilespmem:s2+$0x6420]  }
0xaa: {  	[tilespmem:s2+$0x40] =	vst v3;
	v3 =	vadd.f32 v5, v23;
	v5 =	vld [tilespmem:s2+$0x6430]  }
0xab: {  	[tilespmem:s2+$0x50] =	vst v0;
	v0 =	vadd.f32 v6, v25;
	v6 =	vld [tilespmem:s2+$0x6440]  }
0xac: {  	[tilespmem:s2+$0x60] =	vst v3;
	v2 =	vadd.f32 v2, v27;
	v3 =	vld [tilespmem:s2+$0x6450]  }
0xad: {  	[tilespmem:s2+$0x70] =	vst v0;
	v0 =	vadd.f32 v4, v29;
	v4 =	vld [tilespmem:s2+$0x6460]  }
0xae: {  	[tilespmem:s2+$0x6400] =	vst v2;
	v1 =	vadd.f32 v1, v30;
	v2 =	vld [tilespmem:s2+$0x6470]  }
0xaf: {  	[tilespmem:s2+$0x6410] =	vst v0;
	v0 =	vadd.f32 v5, v28;
	v5 =	vld [tilespmem:s2+$0x80]  }
0xb0: {  	[tilespmem:s2+$0x6420] =	vst v1;
	v1 =	vadd.f32 v6, v26;
	v6 =	vld [tilespmem:s2+$0x90]  }
0xb1: {  	[tilespmem:s2+$0x6430] =	vst v0;
	v0 =	vadd.f32 v3, v24;
	v3 =	vld [tilespmem:s2+$0xA0]  }
0xb2: {  	[tilespmem:s2+$0x6440] =	vst v1;
	v1 =	vadd.f32 v4, v22;
	v4 =	vld [tilespmem:s2+$0xB0]  }
0xb3: {  	[tilespmem:s2+$0x6450] =	vst v0;
	v0 =	vadd.f32 v2, v31;
	v2 =	vld [tilespmem:s2+$0xC0]  }
0xb4: {  	[tilespmem:s2+$0x6460] =	vst v1;
	v1 =	vadd.f32 v5, v16;
	v5 =	vld [tilespmem:s2+$0xD0]  }
0xb5: {  	[tilespmem:s2+$0x6470] =	vst v0;
	v0 =	vadd.f32 v6, v17;
	v6 =	vld [tilespmem:s2+$0xE0]  }
0xb6: {  	[tilespmem:s2+$0x80] =	vst v1;
	v1 =	vadd.f32 v3, v18;
	v3 =	vld [tilespmem:s2+$0xF0]  }
0xb7: {  	[tilespmem:s2+$0x90] =	vst v0;
	v0 =	vadd.f32 v4, v19;
	v4 =	vld [tilespmem:s2+$0x6480]  }
0xb8: {  	[tilespmem:s2+$0xA0] =	vst v1;
	v1 =	vadd.f32 v2, v20;
	v2 =	vld [tilespmem:s2+$0x6490]  }
0xb9: {  	[tilespmem:s2+$0xB0] =	vst v0;
	v0 =	vadd.f32 v5, v21;
	v5 =	vld [tilespmem:s2+$0x64A0]  }
0xba: {  	[tilespmem:s2+$0xC0] =	vst v1;
	v1 =	vadd.f32 v6, v23;
	v6 =	vld [tilespmem:s2+$0x64B0]  }
0xbb: {  	[tilespmem:s2+$0xD0] =	vst v0;
	v0 =	vadd.f32 v3, v25;
	v3 =	vld [tilespmem:s2+$0x64C0]  }
0xbc: {  	[tilespmem:s2+$0xE0] =	vst v1;
	v1 =	vadd.f32 v4, v27;
	v4 =	vld [tilespmem:s2+$0x64D0]  }
0xbd: {  	[tilespmem:s2+$0xF0] =	vst v0;
	v0 =	vadd.f32 v2, v29;
	v2 =	vld [tilespmem:s2+$0x64E0]  }
0xbe: {  	[tilespmem:s2+$0x6480] =	vst v1;
	v1 =	vadd.f32 v5, v30;
	v5 =	vld [tilespmem:s2+$0x64F0]  }
0xbf: {  	[tilespmem:s2+$0x6490] =	vst v0;
	v0 =	vadd.f32 v6, v28;
	v6 =	vld [tilespmem:s2+$0x100]  }
0xc0: {  	[tilespmem:s2+$0x64A0] =	vst v1;
	v1 =	vadd.f32 v3, v26;
	v3 =	vld [tilespmem:s2+$0x110]  }
0xc1: {  	[tilespmem:s2+$0x64B0] =	vst v0;
	v0 =	vadd.f32 v4, v24;
	v4 =	vld [tilespmem:s2+$0x120]  }
0xc2: {  	[tilespmem:s2+$0x64C0] =	vst v1;
	v1 =	vadd.f32 v2, v22;
	v2 =	vld [tilespmem:s2+$0x130]  }
0xc3: {  	[tilespmem:s2+$0x64D0] =	vst v0;
	v0 =	vadd.f32 v5, v31;
	v5 =	vld [tilespmem:s2+$0x140]  }
0xc4: {  	[tilespmem:s2+$0x64E0] =	vst v1;
	v1 =	vadd.f32 v6, v16;
	v6 =	vld [tilespmem:s2+$0x150]  }
0xc5: {  	[tilespmem:s2+$0x64F0] =	vst v0;
	v0 =	vadd.f32 v3, v17;
	v3 =	vld [tilespmem:s2+$0x160]  }
0xc6: {  	[tilespmem:s2+$0x100] =	vst v1;
	v1 =	vadd.f32 v4, v18;
	v4 =	vld [tilespmem:s2+$0x170]  }
0xc7: {  	[tilespmem:s2+$0x110] =	vst v0;
	v0 =	vadd.f32 v2, v19;
	v2 =	vld [tilespmem:s2+$0x6500]  }
0xc8: {  	[tilespmem:s2+$0x120] =	vst v1;
	v1 =	vadd.f32 v5, v20;
	v5 =	vld [tilespmem:s2+$0x6510]  }
0xc9: {  	[tilespmem:s2+$0x130] =	vst v0;
	v0 =	vadd.f32 v6, v21;
	v6 =	vld [tilespmem:s2+$0x6520]  }
0xca: {  	[tilespmem:s2+$0x140] =	vst v1;
	v1 =	vadd.f32 v3, v23;
	v3 =	vld [tilespmem:s2+$0x6530]  }
0xcb: {  	[tilespmem:s2+$0x150] =	vst v0;
	v0 =	vadd.f32 v4, v25;
	v4 =	vld [tilespmem:s2+$0x6540]  }
0xcc: {  	[tilespmem:s2+$0x160] =	vst v1;
	v1 =	vadd.f32 v2, v27;
	v2 =	vld [tilespmem:s2+$0x6550]  }
0xcd: {  	[tilespmem:s2+$0x170] =	vst v0;
	v0 =	vadd.f32 v5, v29;
	v5 =	vld [tilespmem:s2+$0x6560]  }
0xce: {  	[tilespmem:s2+$0x6500] =	vst v1;
	v1 =	vadd.f32 v6, v30;
	v6 =	vld [tilespmem:s2+$0x6570]  }
0xcf: {  	[tilespmem:s2+$0x6510] =	vst v0;
	v0 =	vadd.f32 v3, v28;
	v3 =	vld [tilespmem:s2+$0x180]  }
0xd0: {  	[tilespmem:s2+$0x6520] =	vst v1;
	v1 =	vadd.f32 v4, v26;
	v4 =	vld [tilespmem:s2+$0x190]  }
0xd1: {  	[tilespmem:s2+$0x6530] =	vst v0;
	v0 =	vadd.f32 v2, v24;
	v2 =	vld [tilespmem:s2+$0x1A0]  }
0xd2: {  	[tilespmem:s2+$0x6540] =	vst v1;
	v1 =	vadd.f32 v5, v22;
	v5 =	vld [tilespmem:s2+$0x1B0]  }
0xd3: {  	[tilespmem:s2+$0x6550] =	vst v0;
	v0 =	vadd.f32 v6, v31;
	v6 =	vld [tilespmem:s2+$0x1C0]  }
0xd4: {  	[tilespmem:s2+$0x6560] =	vst v1;
	v1 =	vadd.f32 v3, v16;
	v3 =	vld [tilespmem:s2+$0x1D0]  }
0xd5: {  	[tilespmem:s2+$0x6570] =	vst v0;
	v0 =	vadd.f32 v4, v17;
	v4 =	vld [tilespmem:s2+$0x1E0]  }
0xd6: {  	[tilespmem:s2+$0x180] =	vst v1;
	v1 =	vadd.f32 v2, v18;
	v2 =	vld [tilespmem:s2+$0x1F0]  }
0xd7: {  	[tilespmem:s2+$0x190] =	vst v0;
	v0 =	vadd.f32 v5, v19;
	v5 =	vld [tilespmem:s2+$0x6580]  }
0xd8: {  	[tilespmem:s2+$0x1A0] =	vst v1;
	v1 =	vadd.f32 v6, v20;
	v6 =	vld [tilespmem:s2+$0x6590]  }
0xd9: {  	[tilespmem:s2+$0x1B0] =	vst v0;
	v3 =	vadd.f32 v3, v21;
	v7 =	vld [tilespmem:s2+$0x65A0]  }
.Ltmp0:
0xda: {  	[tilespmem:s2+$0x1C0] =	vst v1;
	v4 =	vadd.f32 v4, v23;
	v0 =	vld [tilespmem:s2+$0x65B0];
	(pc) =	sbr.rel @p0 .LBB2_2-.Ltmp0, $4  }
0xdb: {  	[tilespmem:s2+$0x1D0] =	vst v3;
	v3 =	vadd.f32 v2, v25;
	v1 =	vld [tilespmem:s2+$0x65C0]  }
0xdc: {  	[tilespmem:s2+$0x1E0] =	vst v4;
	v8 =	vadd.f32 v5, v27;
	v2 =	vld [tilespmem:s2+$0x65D0]  }
0xdd: {  	[tilespmem:s2+$0x1F0] =	vst v3;
	v5 =	vadd.f32 v6, v29;
	v3 =	vld [tilespmem:s2+$0x65E0]  }
0xde: {  	s2 =	sadd.s32 $0x200, s2;
	v4 =	vld [tilespmem:s20+$0x0];
	[tilespmem:s20+$0x6580] =	vst v8;
	v6 =	vadd.f32 v7, v30  }
0xdf: {  	[tilespmem:s20+$0x6590] =	vst v5;
	v0 =	vadd.f32 v0, v28  }
0xe0: {  	[tilespmem:s20+$0x65A0] =	vst v6;
	v1 =	vadd.f32 v1, v26  }
0xe1: {  	[tilespmem:s20+$0x65B0] =	vst v0;
	v61 =	vadd.f32 v2, v24  }
0xe2: {  	[tilespmem:s20+$0x65C0] =	vst v1;
	v62 =	vadd.f32 v3, v22  }
0xe3: {  	v63 =	vadd.f32 v4, v16;
	[tilespmem:s20+$0x65D0] =	vst v61  }
0xe4: {  	[tilespmem:s20+$0x65E0] =	vst v62  }
0xe5: {  	[tilespmem:s20+$0x0] =	vst v63  }
0xe6: {  	[tilespmem:$0x1FF10] =	vst v15  }
0xe7: {  	[tilespmem:$0x1FF20] =	vst v35  }
0xe8: {  	[tilespmem:$0x1FF30] =	vst v36  }
0xe9: {  	[tilespmem:$0x1FF40] =	vst v37  }
0xea: {  	[tilespmem:$0x1FF50] =	vst v38  }
0xeb: {  	[tilespmem:$0x1FF60] =	vst v39  }
0xec: {  	[tilespmem:$0x1FF70] =	vst v40  }
0xed: {  	[tilespmem:$0x1FF80] =	vst v41  }
0xee: {  	[tilespmem:$0x1FF90] =	vst v42  }
0xef: {  	[tilespmem:$0x1FFA0] =	vst v43  }
0xf0: {  	[tilespmem:$0x1FFB0] =	vst v44  }
0xf1: {  	[tilespmem:$0x1FFC0] =	vst v11  }
0xf2: {  	[tilespmem:$0x1FFD0] =	vst v34  }
0xf3: {  	[tilespmem:$0x1FFE0] =	vst v12  }
0xf4: {  	[tilespmem:$0x1FFF0] =	vst v13  }
.LBB2_4:
0xf5: {  	p0 =	sgt.u32 s25, $0x1D  }
0xf6: {  	s1 =	sadd.s32 @!p0 $0x2, s25  }
0xf7: {  	s2 =	smul.u32 @!p0 $0xAB, s1;
	_ =	sdelay $0x1  }
0xf8: {  	s2 =	sshrl.u32 @!p0 s2, $0x9  }
0xf9: {  	s2 =	sand.u32 @!p0 $0x7F, s2  }
0xfa: {  	s2 =	smul.u32 @!p0 $0x3, s2  }
0xfb: {  	s13 =	smul.u32 @!p0 $0xC8, s1  }
0xfc: {  	s1 =	ssub.s32 @!p0 s1, s2  }
0xfd: {  	s2 =	sadd.s32 @!p0 s9, s13;
	s1 =	sand.u32 @!p0 $0xFF, s1  }
0xfe: {  	s15 =	simm.s32 @!p0 $0x0;
	s2 =	sshrl.u32 @!p0 s2, $0x3;
	s16 =	smul.u32 @!p0 $0x140, s1  }
0xff: {  	s13 =	sshll.u32 @!p0 s1, $0x7;
	s14 =	sadd.s32 @!p0 s10, s2;
	s1 =	smul.u32 @!p0 $0x360, s1  }
0x100: {  	[tilespmem:s13], [sflag:$0x3] =	stream.linear.gather @!p0 [hbm4b:s14+s15], $0x80, $0x38;
	[tilespmem:$0x1FB80] =	vst v63  }
0x101: {  	s13 =	sshrl.u32 @!p0 s16, $0x2  }
0x102: {  	s14 =	sadd.s32 @!p0 $0x10, s14;
	s1 =	sshrl.u32 @!p0 s1, $0x2;
	s13 =	sadd.s32 @!p0 $0x180, s13  }
0x103: {  	[tilespmem:s13], [sflag:$0x3] =	stream.linear.gather @!p0 [hbm4b:s14+s15], $0x48, $0x38;
	[tilespmem:$0x1FB80] =	vst v63  }
0x104: {  	p1 =	slt.u32 @!p0 s25, $0x2;
	s2 =	sadd.s32 @!p0 s11, s2;
	s1 =	sadd.s32 @!p0 $0x280, s1  }
0x105: {  	[tilespmem:s1], [sflag:$0x3] =	stream.linear.gather @!p0 [hbm4b:s2+s15], $0xC8, $0x38;
	[tilespmem:$0x1FB80] =	vst v63  }
0x106: {  	p0 =	por p0, !p1  }
0x107: {  	s1 =	simm.s32 @p0 $0x2;
	p1 =	seq.s32 @p0 s25, $0x1F  }
0x108: {  	s20 =	simm.s32 @p0 $0x20;
	_ =	swait.ge @p0 [sflag:s1], $0x6400;
	p1 =	por !p0, !p1  }
0x109: {  	[sflag:s1] =	ssyncset.done @p0 $0x0;
	s20 =	sadd.s32 @p1 $0x1, s25  }
0x10a: {  	[sflag:s1] =	ssyncadd.s32 @p0 $0xFFFF9C00;
	s1 =	smul.u32 @p1 $0xAB, s20;
	_ =	sdelay $0x1  }
0x10b: {  	s1 =	sshrl.u32 @p1 s1, $0x9  }
0x10c: {  	_ =	swait.ge @p1 [sflag:s30], $0x80;
	s1 =	sand.u32 @p1 $0x7F, s1  }
0x10d: {  	[sflag:s30] =	ssyncset.done @p1 $0x0;
	s1 =	smul.u32 @p1 $0x3, s1  }
0x10e: {  	[sflag:s30] =	ssyncadd.s32 @p1 $0xFFFFFF80  }
0x10f: {  	_ =	swait.ge @p1 [sflag:s30], $0x48;
	s1 =	ssub.s32 @p1 s20, s1  }
0x110: {  	[sflag:s30] =	ssyncset.done @p1 $0x0;
	s1 =	sand.u32 @p1 $0xFF, s1  }
0x111: {  	[sflag:s30] =	ssyncadd.s32 @p1 $0xFFFFFFB8;
	s2 =	smul.u32 @p1 $0x19000, s1  }
0x112: {  	_ =	swait.ge @p1 [sflag:s30], $0xC8;
	s13 =	smul.u32 @p1 $0x140, s1  }
0x113: {  	s1 =	sshll.u32 @p1 s1, $0x7;
	[sflag:s30] =	ssyncset.done @p1 $0x0;
	s2 =	sshrl.u32 @p1 s2, $0x2  }
0x114: {  	[sflag:s30] =	ssyncadd.s32 @p1 $0xFFFFFF38;
	s13 =	sshrl.u32 @p1 s13, $0x2;
	s14 =	sadd.s32 @p1 $0x580, s2  }
0x115: {  	[tilespmem:s14], [sflag:$0x1] =	stream.indirect.gather @p1 [hbm4b:s0+s26], $0x80, s1, s26, $0xb8;
	[tilespmem:$0x1FB80] =	vst v63  }
0x116: {  	s2 =	sadd.s32 @p1 $0x4580, s2;
	s1 =	sadd.s32 @p1 $0x180, s13;
	s13 =	smul.u32 $0xAB, s25  }
0x117: {  	[tilespmem:s2], [sflag:$0x1] =	stream.indirect.gather @p1 [hbm4b:s0+s5], $0x80, s1, s5, $0xb8;
	[tilespmem:$0x1FB80] =	vst v63  }
0x118: {  	s1 =	sshrl.u32 s13, $0x9  }
0x119: {  	s1 =	sand.u32 $0x7F, s1  }
0x11a: {  	s1 =	smul.u32 $0x3, s1;
	_ =	sdelay $0x1  }
0x11b: {  	_ =	swait.ge [sflag:s3], $0x4000;
	s1 =	ssub.s32 s25, s1  }
0x11c: {  	[sflag:s3] =	ssyncset.done $0x0;
	s1 =	sand.u32 $0xFF, s1  }
0x11d: {  	[sflag:s3] =	ssyncadd.s32 $0xFFFFC000;
	s14 =	smul.u32 $0x360, s1  }
0x11e: {  	_ =	swait.ge [sflag:s3], $0x2400  }
0x11f: {  	[sflag:s3] =	ssyncset.done $0x0;
	s2 =	sshrl.u32 s14, $0x2  }
0x120: {  	[sflag:s3] =	ssyncadd.s32 $0xFFFFDC00;
	s2 =	sadd.s32 $0x281, s2  }
0x121: {  	v0 =	vld [tilespmem:s2+$0xFFFFFFFF];
	_ =	sdelay $0x4  }
0x122: {  	(v2sf) =	vpush v0, $0x0;
	_ =	sdelay $0x2  }
0x123: {  	s1 =	smul.u32 $0x19000, s1  }
0x124: {  	v0 =	vld [tilespmem:s2+$0x0];
	s2 =	sadd.s32 $0x2, s2  }
0x125: {  	s1 =	sshrl.u32 s1, $0x2;
	v21 =	vld [tilespmem:s2+$0xFFFFFFFF]  }
0x126: {  	s15 =	sadd.s32 $0x600, s1  }
0x127: {  	v16 =	vmov s15;
	_ =	sdelay $0x1  }
0x128: {  	(v2sf) =	vpush v0, $0x0  }
0x129: {  	(v2sf) =	vpush v21, $0x0  }
0x12a: {  	s22 =	simm.s32 $0x0  }
0x12b: {  	v1 =	vld.idx.msk [tilespmem:v16+s22+$0xFFFFFFA0 ss:$0x1], $0xffff  }
0x12c: {  	v2 =	vld.idx.msk [tilespmem:v16+s22+$0xFFFFFFD0 ss:$0x1], $0xffff  }
0x12d: {  	v4 =	vld.idx.msk [tilespmem:v16+s22+$0xFFFFFFC0 ss:$0x1], $0xffff  }
0x12e: {  	v5 =	vld.idx.msk [tilespmem:v16+s22+$0xFFFFFF80 ss:$0x1], $0xffff;
	s16 =	spop (v2sf)  }
0x12f: {  	v6 =	vld.idx.msk [tilespmem:v16+s22+$0xFFFFFFB0 ss:$0x1], $0xffff;
	s13 =	smul.u32 $0x19000, s16  }
0x130: {  	v7 =	vld.idx.msk [tilespmem:v16+s22+$0xFFFFFFF0 ss:$0x1], $0xffff  }
0x131: {  	v20 =	vld.idx.msk [tilespmem:v16+s22+$0xFFFFFF90 ss:$0x1], $0xffff;
	s13 =	sshra.s32 s13, $0x2  }
0x132: {  	v0 =	vld.idx.msk [tilespmem:v16+s22+$0xFFFFFFE0 ss:$0x1], $0xffff;
	s13 =	sadd.s32 $0x0, s13  }
0x133: {  	v3 =	vld [tilespmem:s13+$0x13180];
	s13 =	sadd.s32 $0x13180, s13  }
0x134: {  	v8 =	vld [tilespmem:s13+$0x70]  }
0x135: {  	v9 =	vld [tilespmem:s13+$0x30]  }
0x136: {  	v10 =	vld [tilespmem:s13+$0x20]  }
0x137: {  	s17 =	spop (v2sf);
	v17 =	vld [tilespmem:s13+$0x60]  }
0x138: {  	v18 =	vld [tilespmem:s13+$0x50];
	s18 =	smul.u32 $0x19000, s17;
	s21 =	spop (v2sf)  }
0x139: {  	v19 =	vld [tilespmem:s13+$0x40];
	s14 =	smul.u32 $0x19000, s21;
	s21 =	simm.s32 $0x100  }
0x13a: {  	v24 =	vld.idx.msk [tilespmem:v16+s21+$0xFFFFFFA0 ss:$0x1], $0xffff  }
0x13b: {  	v34 =	vadd.f32 v3, v5;
	v22 =	vadd.f32 v9, v6;
	v6 =	vld [tilespmem:s13+$0x10];
	s13 =	sshra.s32 s18, $0x2  }
0x13c: {  	v5 =	vld.idx.msk [tilespmem:v16+s22+$0x20 ss:$0x1], $0xffff;
	v27 =	vadd.f32 v8, v7;
	v39 =	vadd.f32 v10, v1;
	s13 =	sadd.s32 $0x0, s13  }
0x13d: {  	v36 =	vadd.f32 v18, v2;
	v40 =	vadd.f32 v17, v0;
	v2 =	vld.idx.msk [tilespmem:v16+s22+$0x50 ss:$0x1], $0xffff;
	s13 =	sadd.s32 $0x13180, s13  }
0x13e: {  	v42 =	vadd.f32 v19, v4;
	v19 =	vmul.f32 v34, v34;
	v0 =	vmul.f32 v39, v39;
	v8 =	vld [tilespmem:s13+$0xD0]  }
0x13f: {  	v1 =	vadd.f32 v22, v39;
	v4 =	vmul.f32 v40, v40;
	v17 =	vmul.f32 v27, v27;
	v18 =	vld [tilespmem:s13+$0xA0]  }
0x140: {  	v3 =	vadd.f32 v27, v40;
	v9 =	vmul.f32 v22, v22;
	v23 =	vld [tilespmem:s13+$0xF0];
	v37 =	vadd.f32 v6, v20  }
0x141: {  	v7 =	vmul.f32 v42, v42;
	v10 =	vadd.f32 v36, v42;
	v4 =	vadd.f32 v17, v4;
	v17 =	vld.idx.msk [tilespmem:v16+s22+$0x10 ss:$0x1], $0xffff  }
0x142: {  	v0 =	vadd.f32 v9, v0;
	v9 =	vld [tilespmem:s13+$0x90];
	v6 =	vmul.f32 v36, v36;
	v20 =	vmul.f32 v37, v37  }
0x143: {  	v3 =	vadd.f32 v3, v10;
	v10 =	vld [tilespmem:s2+$0x0];
	v21 =	vadd.f32 v37, v34  }
0x144: {  	v6 =	vadd.f32 v6, v7;
	v7 =	vld [tilespmem:s13+$0x80];
	v19 =	vadd.f32 v20, v19  }
0x145: {  	v31 =	vadd.f32 v8, v2;
	v2 =	vld.idx.msk [tilespmem:v16+s21+$0xFFFFFFD0 ss:$0x1], $0xffff;
	v1 =	vadd.f32 v1, v21  }
0x146: {  	v4 =	vadd.f32 v4, v6;
	v6 =	vld.idx.msk [tilespmem:v16+s22+$0x60 ss:$0x1], $0xffff;
	v0 =	vadd.f32 v0, v19  }
0x147: {  	v20 =	vld [tilespmem:s13+$0xE0];
	v1 =	vadd.f32 v3, v1  }
0x148: {  	v21 =	vld [tilespmem:s13+$0xC0];
	v0 =	vadd.f32 v4, v0  }
0x149: {  	(v2sf) =	vpush v10, $0x0;
	v10 =	vld.idx.msk [tilespmem:v16+s21+$0xFFFFFFE0 ss:$0x1], $0xffff;
	(xrf2) =	vadd.scan.msk.f32 $0xffff, v1  }
0x14a: {  	v3 =	vld.idx.msk [tilespmem:v16+s22+$0x30 ss:$0x1], $0xffff;
	(xrf2) =	vadd.scan.msk.f32 $0xffff, v0  }
0x14b: {  	v19 =	vld.idx.msk [tilespmem:v16+s22+$0x70 ss:$0x1], $0xffff  }
0x14c: {  	v4 =	vld.idx.msk [tilespmem:v16+s22+$0x40 ss:$0x1], $0xffff  }
0x14d: {  	v1 =	vld.idx.msk [tilespmem:v16+s22+$0x0 ss:$0x1], $0xffff  }
0x14e: {  	s23 =	sshra.s32 s14, $0x2;
	v0 =	vld [tilespmem:s13+$0xB0]  }
0x14f: {  	v15 =	vadd.f32 v18, v5;
	v18 =	vadd.f32 v9, v17;
	v9 =	vld.idx.msk [tilespmem:v16+s21+$0xFFFFFF80 ss:$0x1], $0xffff;
	s13 =	sadd.s32 $0x100, s23  }
0x150: {  	v8 =	vld [tilespmem:s13+$0x13180];
	s13 =	sadd.s32 $0x13180, s13  }
0x151: {  	v19 =	vadd.f32 v23, v19;
	v23 =	vld [tilespmem:s13+$0x30]  }
0x152: {  	v35 =	vadd.f32 v20, v6;
	v47 =	vadd.f32 v7, v1;
	v7 =	vld.idx.msk [tilespmem:v16+s21+$0xFFFFFFB0 ss:$0x1], $0xffff  }
0x153: {  	v28 =	vadd.f32 v21, v4;
	v4 =	vld [tilespmem:s13+$0x70];
	v25 =	vadd.f32 v0, v3;
	v5, _, _ =	vpop (xrf2)  }
0x154: {  	v20 =	vmul.f32 v35, v35;
	v0 =	vld.idx.msk [tilespmem:v16+s21+$0xFFFFFFF0 ss:$0x1], $0xffff;
	(v2sf) =	vpush v5, $0xF;
	v1, _, _ =	vpop (xrf2)  }
0x155: {  	v26 =	vadd.f32 v19, v35;
	v3 =	vmul.f32 v19, v19;
	v5 =	vld.idx.msk [tilespmem:v16+s21+$0xFFFFFFC0 ss:$0x1], $0xffff;
	[tilespmem:$0x1FE70] =	vst v25;
	(v2sf) =	vpush v1, $0xF  }
0x156: {  	v32 =	vmul.f32 v31, v31;
	v17 =	vadd.f32 v18, v47;
	v29 =	vadd.f32 v31, v28;
	[tilespmem:$0x1FE80] =	vst v19  }
0x157: {  	v6 =	vmul.f32 v15, v15;
	v21 =	vadd.f32 v25, v15;
	v3 =	vadd.f32 v3, v20;
	v30 =	vld [tilespmem:s13+$0x20]  }
0x158: {  	v20 =	vmul.f32 v28, v28;
	v26 =	vadd.f32 v26, v29;
	v25 =	vmul.f32 v25, v25;
	v38 =	vld [tilespmem:s13+$0x60];
	[tilespmem:$0x1FE90] =	vst v18  }
0x159: {  	v17 =	vadd.f32 v21, v17;
	v21 =	vmul.f32 v18, v18;
	v1 =	vmul.f32 v47, v47;
	v29 =	vld [tilespmem:s13+$0x50]  }
0x15a: {  	v20 =	vadd.f32 v32, v20;
	s24 =	spop (v2sf);
	v43 =	vld [tilespmem:s13+$0x40]  }
0x15b: {  	s14 =	sadd.s32 $0x2, s2;
	s2 =	smul.u32 $0x19000, s24;
	v6 =	vadd.f32 v25, v6;
	v44 =	vld.idx.msk [tilespmem:v16+s21+$0xFFFFFF90 ss:$0x1], $0xffff;
	v1 =	vadd.f32 v21, v1  }
0x15c: {  	v17 =	vadd.f32 v26, v17;
	v3 =	vadd.f32 v3, v20;
	v20 =	vld [tilespmem:s13+$0x10]  }
0x15d: {  	v62 =	vadd.f32 v4, v0;
	s2 =	sshra.s32 s2, $0x2;
	v1 =	vadd.f32 v6, v1  }
0x15e: {  	(xrf2) =	vadd.scan.msk.f32 $0xffff, v17;
	v17 =	vadd.f32 v23, v7;
	v21 =	vadd.f32 v8, v9;
	s2 =	sadd.s32 $0x100, s2  }
0x15f: {  	s12 =	sadd.s32 $0x13180, s2;
	v6 =	vld [tilespmem:s14+$0xFFFFFFFF];
	v18 =	vadd.f32 v30, v24;
	v0 =	vadd.f32 v3, v1  }
0x160: {  	v10 =	vadd.f32 v38, v10;
	v9 =	vld [tilespmem:s12+$0x80];
	v32 =	vadd.f32 v29, v2  }
0x161: {  	v2 =	vld.idx.msk [tilespmem:v16+s21+$0x20 ss:$0x1], $0xffff;
	v19 =	vadd.f32 v43, v5;
	v63 =	vadd.f32 v20, v44;
	(xrf2) =	vadd.scan.msk.f32 $0xffff, v0  }
0x162: {  	v1 =	vld [tilespmem:s14+$0x0];
	v4 =	vadd.f32 v17, v18;
	v5 =	vadd.f32 v62, v10  }
0x163: {  	v3 =	vld [tilespmem:s12+$0xD0];
	v7 =	vadd.f32 v32, v19;
	v8 =	vadd.f32 v63, v21;
	s4 =	spop (v2sf)  }
0x164: {  	v0 =	vld.idx.msk [tilespmem:v16+s21+$0x50 ss:$0x1], $0xffff;
	(v2sf) =	vpush v6, $0x0;
	s13 =	smul.f32 $7.812500000e-03, s4;
	s18 =	spop (v2sf)  }
0x165: {  	v6 =	vld [tilespmem:s12+$0xA0];
	v5 =	vadd.f32 v5, v7;
	v4 =	vadd.f32 v4, v8;
	s2 =	smul.f32 $7.812500000e-03, s18  }
0x166: {  	v8 =	vld [tilespmem:s12+$0x90];
	s23 =	smul.f32 s13, s13  }
0x167: {  	v4 =	vadd.f32 v5, v4;
	v5 =	vld.idx.msk [tilespmem:v16+s21+$0x30 ss:$0x1], $0xffff;
	(v2sf) =	vpush v1, $0x0  }
0x168: {  	v7, _, _ =	vpop (xrf2);
	v1 =	vld.idx.msk [tilespmem:v16+s21+$0x10 ss:$0x1], $0xffff;
	[tilespmem:$0x1FEA0] =	vst v18;
	s2 =	ssub.f32 s2, s23  }
0x169: {  	v43 =	vld.idx.msk [tilespmem:v16+s21+$0x60 ss:$0x1], $0xffff;
	[tilespmem:$0x1FEB0] =	vst v17;
	(v2sf) =	vpush v7, $0xF  }
0x16a: {  	v45 =	vmul.f32 v62, v62;
	[tilespmem:$0x1FEC0] =	vst v19;
	s2 =	sadd.f32 $9.999999960e-13, s2  }
0x16b: {  	v46 =	vmul.f32 v21, v21;
	v20 =	vmul.f32 v17, v17;
	(xrf2) =	vadd.scan.msk.f32 $0xffff, v4;
	v26 =	vld.idx.msk [tilespmem:v16+s21+$0x40 ss:$0x1], $0xffff;
	[tilespmem:$0x1FED0] =	vst v62;
	v4, _, _ =	vpop (xrf2)  }
0x16c: {  	v33 =	vmov v10;
	v10 =	vmul.f32 v10, v10;
	(v2sf) =	vpush v4, $0xF;
	v4 =	vld.idx.msk [tilespmem:v16+s21+$0x0 ss:$0x1], $0xffff;
	[tilespmem:$0x1FEE0] =	vst v21;
	s24 =	sshra.s32 s2, $0x1;
	s2 =	smul.f32 $5.000000000e-01, s2  }
0x16d: {  	v23 =	vmul.f32 v19, v19;
	v17 =	vmul.f32 v32, v32;
	[tilespmem:$0x1FEF0] =	vst v63;
	s16 =	ssub.s32 $0x5F3759DF, s24  }
0x16e: {  	v48 =	vmul.f32 v63, v63;
	v7 =	vmul.f32 v18, v18;
	v49 =	vld.idx.msk [tilespmem:v16+s21+$0x70 ss:$0x1], $0xffff;
	s17 =	smul.f32 s16, s2  }
0x16f: {  	v10 =	vadd.f32 v45, v10;
	v23 =	vadd.f32 v17, v23;
	v50 =	vld [tilespmem:s12+$0xB0]  }
0x170: {  	v17 =	vadd.f32 v48, v46;
	v7 =	vadd.f32 v20, v7;
	v41 =	vld [tilespmem:s12+$0xE0];
	s17 =	smul.f32 s16, s17  }
0x171: {  	v52 =	vld [tilespmem:s12+$0xC0]  }
0x172: {  	v10 =	vadd.f32 v10, v23;
	s23 =	simm.s32 $0x200;
	v7 =	vadd.f32 v7, v17;
	v24 =	vld [tilespmem:s12+$0xF0];
	s4 =	ssub.f32 $1.500000000e+00, s17  }
0x173: {  	v53 =	vld.idx.msk [tilespmem:v16+s23+$0x50 ss:$0x1], $0xffff  }
0x174: {  	v56 =	vld.idx.msk [tilespmem:v16+s23+$0xFFFFFFA0 ss:$0x1], $0xffff;
	v7 =	vadd.f32 v10, v7;
	s24 =	spop (v2sf);
	s16 =	smul.f32 s16, s4  }
0x175: {  	v29 =	vadd.f32 v6, v2;
	v17 =	vld.idx.msk [tilespmem:v16+s23+$0xFFFFFFE0 ss:$0x1], $0xffff;
	s12 =	smul.u32 $0x19000, s24  }
0x176: {  	v20 =	vadd.f32 v3, v0;
	v23 =	vadd.f32 v8, v1;
	v18 =	vld.idx.msk [tilespmem:v16+s23+$0xFFFFFFD0 ss:$0x1], $0xffff;
	v0, _, _ =	vpop (xrf2);
	(xrf2) =	vadd.scan.msk.f32 $0xffff, v7;
	s24 =	spop (v2sf);
	s4 =	smul.f32 s16, s2  }
0x177: {  	v62 =	vld.idx.msk [tilespmem:v16+s23+$0xFFFFFFC0 ss:$0x1], $0xffff;
	v1 =	vadd.f32 v9, v4;
	v44 =	vadd.f32 v52, v26;
	s17 =	smul.u32 $0x19000, s24  }
0x178: {  	v2 =	vld.idx.msk [tilespmem:v16+s23+$0x20 ss:$0x1], $0xffff;
	v43 =	vadd.f32 v41, v43;
	s18 =	sshra.s32 s12, $0x2;
	(v2sf) =	vpush v0, $0xF;
	v0 =	vmov s13;
	s12 =	spop (v2sf);
	s24 =	smul.f32 s4, s16  }
0x179: {  	v3 =	vld.idx.msk [tilespmem:v16+s23+$0xFFFFFFB0 ss:$0x1], $0xffff;
	v55 =	vsub.f32 v37, v0;
	v45 =	vsub.f32 v27, v0;
	s13 =	smul.f32 $7.812500000e-03, s12  }
0x17a: {  	v4 =	vld.idx.msk [tilespmem:v16+s23+$0xFFFFFFF0 ss:$0x1], $0xffff;
	v37 =	vadd.f32 v24, v49;
	v51 =	vsub.f32 v42, v0;
	s24 =	ssub.f32 $1.500000000e+00, s24  }
0x17b: {  	v6 =	vmul.f32 v29, v29;
	v41 =	vld.idx.msk [tilespmem:v16+s23+$0xFFFFFF80 ss:$0x1], $0xffff;
	s15 =	sadd.s32 $0x200, s18;
	v46 =	vsub.f32 v40, v0;
	v54 =	vsub.f32 v39, v0;
	s28 =	smul.f32 s13, s13  }
0x17c: {  	v25 =	vmul.f32 v43, v43;
	v19 =	vld [tilespmem:s15+$0x13180];
	s15 =	sadd.s32 $0x13180, s15;
	v52 =	vsub.f32 v36, v0;
	v49 =	vadd.f32 v50, v5;
	s18 =	spop (v2sf);
	s16 =	smul.f32 s24, s16  }
0x17d: {  	v61 =	vsub.f32 v34, v0;
	v39 =	vadd.f32 v23, v1;
	v7 =	vld [tilespmem:s15+$0x70];
	s17 =	sshra.s32 s17, $0x2;
	v5 =	vmul.f32 v37, v37;
	s24 =	smul.f32 $7.812500000e-03, s18  }
0x17e: {  	v60 =	vsub.f32 v22, v0;
	v9 =	vld [tilespmem:s15+$0x30];
	v26 =	vadd.f32 v49, v29;
	v24 =	vmul.f32 v49, v49;
	s17 =	sadd.s32 $0x200, s17  }
0x17f: {  	v59 =	vld [tilespmem:s15+$0x20];
	v8 =	vadd.f32 v37, v43;
	s29 =	sadd.s32 $0x13180, s17;
	v48 =	vmov s13;
	v0 =	vadd.f32 v5, v25;
	s13 =	ssub.f32 s24, s28  }
0x180: {  	v38 =	vmul.f32 v23, v23;
	v22, _, _ =	vpop (xrf2);
	v63 =	vadd.f32 v24, v6;
	v6 =	vadd.f32 v26, v39;
	v57 =	vld [tilespmem:s29+$0xD0];
	s2 =	smul.f32 s16, s2  }
0x181: {  	v26 =	vmul.f32 v20, v20;
	v50 =	vsub.f32 v47, v48;
	v5 =	vld [tilespmem:s29+$0xA0];
	(v2sf) =	vpush v22, $0xF;
	[tilespmem:$0x1FF00] =	vst v1;
	s13 =	sadd.f32 $9.999999960e-13, s13  }
0x182: {  	v1 =	vmul.f32 v1, v1;
	v41 =	vadd.f32 v19, v41;
	v58 =	vld [tilespmem:s15+$0x60];
	v36 =	vadd.f32 v7, v4;
	s2 =	smul.f32 s2, s16  }
0x183: {  	v7 =	vmul.f32 v44, v44;
	v25 =	vld [tilespmem:s15+$0x50];
	v34 =	vadd.f32 v9, v3;
	v9 =	vadd.f32 v20, v44;
	s12 =	sshra.s32 s13, $0x1;
	s13 =	smul.f32 $5.000000000e-01, s13  }
0x184: {  	s4 =	smul.u32 $0xC8, s25;
	v4 =	vld [tilespmem:s15+$0x40];
	v40 =	vadd.f32 v59, v56;
	v10 =	vadd.f32 v38, v1;
	s2 =	ssub.f32 $1.500000000e+00, s2;
	s17 =	ssub.s32 $0x5F3759DF, s12  }
0x185: {  	v3 =	vld.idx.msk [tilespmem:v16+s23+$0x10 ss:$0x1], $0xffff;
	v7 =	vadd.f32 v26, v7;
	v9 =	vadd.f32 v8, v9;
	s18 =	smul.f32 s17, s13  }
0x186: {  	v1 =	vld [tilespmem:s29+$0x90];
	v10 =	vadd.f32 v63, v10;
	v22 =	vadd.f32 v5, v2;
	s24 =	smul.f32 s2, s16  }
0x187: {  	s31 =	simm.s32 $0x4;
	v8 =	vld [tilespmem:s15+$0x10];
	v47 =	vadd.f32 v57, v53;
	v53 =	vsub.f32 v15, v48;
	s18 =	smul.f32 s17, s18  }
0x188: {  	s25 =	sadd.s32 s9, s4;
	v57 =	vld [tilespmem:s29+$0x80];
	v2 =	vmul.f32 v40, v40;
	s28 =	sadd.s32 $0x580, s1;
	v39 =	vadd.f32 v25, v18;
	s1 =	sadd.s32 $0x2, s14;
	v56 =	vmul.f32 v22, v22  }
0x189: {  	v5 =	vld.idx.msk [tilespmem:v16+s23+$0xFFFFFF90 ss:$0x1], $0xffff;
	v42 =	vadd.f32 v58, v17;
	s2 =	simm.s32 $0x800;
	s16 =	spop (v2sf);
	v59 =	vmul.f32 s24, v11;
	v63 =	vmul.f32 s24, v14;
	s14 =	ssub.f32 $1.500000000e+00, s18  }
.LBB2_5:
0x18a: {  	v11 =	vld [tilespmem:s1+$0xFFFFFFFF]  }
0x18b: {  	v13 =	vld [tilespmem:$0x1FE70]  }
0x18c: {  	v15 =	vld [tilespmem:$0x1FF90]  }
0x18d: {  	v38 =	vmul.f32 v34, v34;
	v17 =	vld [tilespmem:$0x1FFA0];
	v6 =	vadd.f32 v9, v6  }
0x18e: {  	v58 =	vmovc v47;
	v18 =	vld [tilespmem:$0x1FFB0];
	v9 =	vmul.f32 v59, v61;
	v0 =	vadd.f32 v0, v7;
	v7 =	vmul.f32 v63, v55  }
0x18f: {  	v21 =	vld [tilespmem:$0x1FFD0];
	v2 =	vadd.f32 v38, v2;
	(xrf2) =	vadd.scan.msk.f32 $0xffff, v6;
	v6 =	vmul.f32 v41, v41;
	v47 =	vadd.f32 v4, v62  }
0x190: {  	v25 =	vld [tilespmem:$0x1FF50];
	v62 =	vmul.f32 v42, v42;
	v55 =	vsub.f32 v13, v48;
	v13 =	vmovc v49;
	v49 =	vadd.f32 v8, v5  }
0x191: {  	v24 =	vld [tilespmem:$0x1FFE0];
	s14 =	smul.f32 s17, s14;
	v59 =	vadd.f32 v1, v3;
	v1 =	vmul.f32 v39, v39;
	v5 =	vmul.f32 v36, v36  }
0x192: {  	v27 =	vld [tilespmem:$0x1FFF0];
	v0 =	vadd.f32 v0, v10;
	[tilespmem:$0x1FE70] =	vst v13;
	v13 =	vmul.f32 v47, v47;
	v8 =	vmul.f32 v49, v49  }
0x193: {  	s15 =	smul.f32 s14, s13;
	v4 =	vadd.f32 v36, v42;
	v5 =	vadd.f32 v5, v62;
	v62 =	vld [tilespmem:$0x1FF20]  }
0x194: {  	v19 =	vld [tilespmem:$0x1FF60];
	v1 =	vadd.f32 v1, v13;
	v6 =	vadd.f32 v8, v6  }
0x195: {  	v30 =	vld [tilespmem:$0x1FF70];
	(v2sf) =	vpush v11, $0x0;
	s15 =	smul.f32 s15, s14;
	v10 =	vmul.f32 s24, v15;
	v3 =	vadd.f32 v39, v47  }
0x196: {  	s16 =	smul.f32 $7.812500000e-03, s16;
	v61 =	vld [tilespmem:s1+$0x0];
	(xrf2) =	vadd.scan.msk.f32 $0xffff, v0;
	v1 =	vadd.f32 v5, v1;
	v2 =	vadd.f32 v2, v6  }
0x197: {  	s15 =	ssub.f32 $1.500000000e+00, s15;
	v3 =	vadd.f32 v4, v3;
	v4 =	vmul.f32 v10, v54;
	v54 =	vld [tilespmem:$0x1FF10];
	v6 =	vmul.f32 s24, v18  }
0x198: {  	s18 =	smul.f32 s16, s16;
	v13 =	vld [tilespmem:s29+$0xB0];
	v1 =	vadd.f32 v1, v2;
	v2 =	vadd.f32 v7, v62;
	v7 =	vmul.f32 s24, v21  }
0x199: {  	v12 =	vadd.f32 v34, v40;
	v0 =	vadd.f32 v49, v41;
	s12 =	spop (v2sf);
	s14 =	smul.f32 s15, s14;
	v6 =	vmul.f32 v6, v51;
	v51 =	vld [tilespmem:$0x1FF30]  }
0x19a: {  	s17 =	smul.f32 $7.812500000e-03, s12;
	v7 =	vmul.f32 v7, v52;
	v52 =	vld [tilespmem:$0x1FF40]  }
0x19b: {  	v8 =	vmul.f32 s24, v17;
	(v2sf) =	vpush v61, $0x0;
	v10 =	vadd.f32 v12, v0;
	v61 =	vld.idx.msk [tilespmem:v16+s23+$0x60 ss:$0x1], $0xffff;
	s4 =	smul.f32 s14, s13  }
0x19c: {  	v12 =	vsub.f32 v35, v48;
	v35 =	vmov v32;
	v32 =	vld [tilespmem:$0x1FF80];
	s15 =	ssub.f32 s17, s18;
	v9 =	vadd.f32 v9, v54  }
0x19d: {  	v26 =	vmov v23;
	v5 =	vmul.f32 v8, v60;
	v3 =	vadd.f32 v3, v10;
	v60 =	vld.idx.msk [tilespmem:v16+s23+$0x30 ss:$0x1], $0xffff;
	s13 =	smul.f32 s4, s14  }
0x19e: {  	v8 =	vsub.f32 v28, v48;
	v28 =	vld [tilespmem:$0x1FFC0];
	v0, _, _ =	vpop (xrf2);
	s15 =	sadd.f32 $9.999999960e-13, s15;
	[tilespmem:v16+s22+$0xFFFFFF80 ss:$0x1] =	vst.idx.msk $0xffff, v9;
	v9 =	vmul.f32 s24, v27;
	v4 =	vadd.f32 v4, v51  }
0x19f: {  	(xrf2) =	vadd.scan.msk.f32 $0xffff, v3;
	(v2sf) =	vpush v0, $0xF;
	v0 =	vld.idx.msk [tilespmem:v16+s23+$0x40 ss:$0x1], $0xffff;
	s12 =	ssub.f32 $1.500000000e+00, s13;
	[tilespmem:v16+s22+$0xFFFFFF90 ss:$0x1] =	vst.idx.msk $0xffff, v2;
	v3 =	vadd.f32 v5, v52  }
0x1a0: {  	v10, _, _ =	vpop (xrf2);
	s18 =	sshra.s32 s15, $0x1;
	s13 =	smul.f32 $5.000000000e-01, s15;
	v5 =	vadd.f32 v6, v25;
	v6 =	vmul.f32 s24, v24;
	[tilespmem:v16+s22+$0xFFFFFFA0 ss:$0x1] =	vst.idx.msk $0xffff, v4;
	v4 =	vmul.f32 v9, v45;
	v9 =	vld [tilespmem:$0x1FE90]  }
0x1a1: {  	(v2sf) =	vpush v10, $0xF;
	v10 =	vld.idx.msk [tilespmem:v16+s23+$0x70 ss:$0x1], $0xffff;
	s17 =	smul.f32 s12, s14;
	s18 =	ssub.s32 $0x5F3759DF, s18;
	[tilespmem:$0x1FE90] =	vst v26  }
0x1a2: {  	v2 =	vadd.f32 v7, v19;
	v7 =	vld.idx.msk [tilespmem:v16+s23+$0x0 ss:$0x1], $0xffff;
	s15 =	smul.f32 s18, s13;
	v6 =	vmul.f32 v6, v46;
	[tilespmem:v16+s22+$0xFFFFFFB0 ss:$0x1] =	vst.idx.msk $0xffff, v3  }
0x1a3: {  	s2 =	sadd.s32 $0x400, s2;
	v63 =	vmul.f32 s17, v17;
	v17 =	vmov v43;
	v43 =	vld [tilespmem:s29+$0xC0];
	[tilespmem:v16+s22+$0xFFFFFFC0 ss:$0x1] =	vst.idx.msk $0xffff, v5  }
0x1a4: {  	v45 =	vmul.f32 s17, v14;
	s4 =	smul.f32 s18, s15;
	s15 =	sshra.s32 s2, $0x2;
	v3 =	vadd.f32 v6, v30;
	v6 =	vld [tilespmem:$0x1FE80];
	[tilespmem:v16+s22+$0xFFFFFFD0 ss:$0x1] =	vst.idx.msk $0xffff, v2;
	v2 =	vmul.f32 s17, v15  }
0x1a5: {  	v26 =	vmovc v14;
	v14 =	vld.idx.msk [tilespmem:v16+s15+$0x50 ss:$0x1], $0xffff;
	v4 =	vadd.f32 v4, v32;
	v5 =	vmul.f32 s17, v28;
	v9 =	vsub.f32 v9, v48  }
0x1a6: {  	s24 =	spop (v2sf);
	[tilespmem:v16+s22+$0xFFFFFFE0 ss:$0x1] =	vst.idx.msk $0xffff, v3;
	v2 =	vmul.f32 v2, v53;
	v53 =	vld.idx.msk [tilespmem:v16+s15+$0xFFFFFFA0 ss:$0x1], $0xffff  }
0x1a7: {  	s14 =	smul.u32 $0x19000, s24;
	v3 =	vmul.f32 v5, v50;
	v5 =	vmul.f32 v45, v9;
	v9 =	vld [tilespmem:s29+$0xF0];
	[tilespmem:v16+s22+$0xFFFFFFF0 ss:$0x1] =	vst.idx.msk $0xffff, v4  }
0x1a8: {  	v11 =	vsub.f32 v31, v48;
	v50 =	vmul.f32 v63, v55;
	v4 =	vmul.f32 s17, v18;
	v63 =	vld.idx.msk [tilespmem:v16+s15+$0xFFFFFFE0 ss:$0x1], $0xffff  }
0x1a9: {  	v46 =	vmul.f32 s17, v24;
	s14 =	sshra.s32 s14, $0x2;
	v15 =	vmovc v37;
	v3 =	vadd.f32 v3, v54;
	v6 =	vsub.f32 v6, v48;
	v48 =	vld [tilespmem:s29+$0xE0]  }
0x1aa: {  	[tilespmem:$0x1FE80] =	vst v15;
	s29 =	sadd.s32 s15, s14;
	v5 =	vadd.f32 v5, v62;
	v4 =	vmul.f32 v4, v8;
	v8 =	vmul.f32 s17, v21;
	v21 =	vld [tilespmem:$0x1FF00]  }
0x1ab: {  	[tilespmem:v16+s22+$0x0 ss:$0x1] =	vst.idx.msk $0xffff, v3;
	v15 =	vld [tilespmem:s29+$0x13180]  }
0x1ac: {  	s24 =	ssub.f32 $1.500000000e+00, s4;
	v3 =	vadd.f32 v50, v52;
	v50 =	vmov s16;
	[tilespmem:v16+s22+$0x10 ss:$0x1] =	vst.idx.msk $0xffff, v5;
	v5 =	vmul.f32 v46, v12;
	v12 =	vld [tilespmem:$0x1FEF0]  }
0x1ad: {  	s14 =	sadd.s32 $0x13180, s29;
	v52 =	vsub.f32 v35, v50;
	v35 =	vmov v17;
	v17 =	vld [tilespmem:$0x1FEE0]  }
0x1ae: {  	s12 =	spop (v2sf);
	s18 =	smul.f32 s18, s24;
	v18 =	vmov v40;
	v2 =	vadd.f32 v2, v51;
	v40 =	vld [tilespmem:s14+$0x20]  }
0x1af: {  	s12 =	smul.u32 $0x19000, s12;
	v37 =	vadd.f32 v9, v10;
	v9 =	vld [tilespmem:$0x1FEC0]  }
0x1b0: {  	v55, _, _ =	vpop (xrf2);
	s4 =	smul.f32 s18, s13;
	v8 =	vmul.f32 v8, v11;
	v11 =	vmul.f32 s17, v27;
	[tilespmem:v16+s22+$0x20 ss:$0x1] =	vst.idx.msk $0xffff, v2;
	v10 =	vld.idx.msk [tilespmem:v16+s15+$0xFFFFFF80 ss:$0x1], $0xffff  }
0x1b1: {  	v38 =	vmov v44;
	v44 =	vadd.f32 v43, v0;
	(v2sf) =	vpush v55, $0xF;
	v2 =	vld.idx.msk [tilespmem:v16+s15+$0x20 ss:$0x1], $0xffff  }
0x1b2: {  	s12 =	sshra.s32 s12, $0x2;
	s4 =	smul.f32 s4, s18;
	s24 =	spop (v2sf);
	v4 =	vadd.f32 v4, v25;
	[tilespmem:v16+s22+$0x30 ss:$0x1] =	vst.idx.msk $0xffff, v3;
	v3 =	vadd.f32 v57, v7;
	v7 =	vld.idx.msk [tilespmem:v16+s15+$0xFFFFFFB0 ss:$0x1], $0xffff  }
0x1b3: {  	(xrf2) =	vadd.scan.msk.f32 $0xffff, v1;
	s12 =	sadd.s32 s15, s12;
	s16 =	smul.f32 $7.812500000e-03, s24;
	v46 =	vsub.f32 v33, v50;
	v6 =	vmul.f32 v11, v6;
	v55 =	vsub.f32 v12, v50;
	v12 =	vld [tilespmem:$0x1FED0]  }
0x1b4: {  	s29 =	sadd.s32 $0x13180, s12;
	s12 =	ssub.f32 $1.500000000e+00, s4;
	v5 =	vadd.f32 v5, v30;
	[tilespmem:v16+s22+$0x40 ss:$0x1] =	vst.idx.msk $0xffff, v4;
	v11 =	vmov v47;
	v51 =	vsub.f32 v9, v50;
	v9 =	vld [tilespmem:$0x1FEA0]  }
0x1b5: {  	v23 =	vmovc v59;
	v0 =	vmovc v36;
	s4 =	smul.f32 s16, s16;
	v24 =	vadd.f32 v8, v19;
	v19 =	vld [tilespmem:$0x1FEB0];
	v43 =	vadd.f32 v48, v61;
	v48 =	vmov s16;
	[tilespmem:$0x1FEC0] =	vst v11  }
0x1b6: {  	s24 =	spop (v2sf);
	s17 =	smul.f32 s12, s18;
	v4 =	vadd.f32 v6, v32;
	v11 =	vmul.f32 v3, v3;
	[tilespmem:$0x1FED0] =	vst v0;
	v0 =	vmul.f32 v37, v37  }
0x1b7: {  	s16 =	smul.f32 $7.812500000e-03, s24;
	v47 =	vld [tilespmem:s14+$0x30];
	v8 =	vmovc v3;
	v61 =	vsub.f32 v17, v50;
	v17 =	vadd.f32 v23, v3;
	v25 =	vmul.f32 v43, v43  }
0x1b8: {  	v6 =	vld [tilespmem:s29+$0xD0];
	[tilespmem:$0x1FF00] =	vst v8;
	v8 =	vmul.f32 v44, v44;
	v40 =	vadd.f32 v40, v53;
	v45 =	vsub.f32 v12, v50  }
0x1b9: {  	s13 =	smul.f32 s17, s13;
	s4 =	ssub.f32 s16, s4;
	[tilespmem:$0x1FEA0] =	vst v18;
	v12 =	vld [tilespmem:s14+$0x70];
	v54 =	vsub.f32 v9, v50;
	v9 =	vmov v49;
	v49 =	vadd.f32 v13, v60  }
0x1ba: {  	v31 =	vmovc v20;
	v60 =	vsub.f32 v19, v50;
	v19 =	vmov v34;
	v50 =	vsub.f32 v21, v48;
	v21 =	vld [tilespmem:s14+$0x60];
	[tilespmem:$0x1FEF0] =	vst v9  }
0x1bb: {  	s18 =	smul.f32 s13, s17;
	v53 =	vsub.f32 v29, v48;
	v3 =	vmov v41;
	v41 =	vadd.f32 v15, v10;
	s4 =	sadd.f32 $9.999999960e-13, s4;
	v9 =	vld.idx.msk [tilespmem:v16+s15+$0xFFFFFFF0 ss:$0x1], $0xffff;
	[tilespmem:$0x1FEB0] =	vst v19  }
0x1bc: {  	v20 =	vmov v58;
	v0 =	vadd.f32 v0, v25;
	v34 =	vadd.f32 v47, v7;
	v19 =	vld [tilespmem:s29+$0xA0];
	[tilespmem:v16+s22+$0x50 ss:$0x1] =	vst.idx.msk $0xffff, v24  }
0x1bd: {  	v1 =	vld.idx.msk [tilespmem:v16+s15+$0xFFFFFFD0 ss:$0x1], $0xffff;
	s12 =	ssub.f32 $1.500000000e+00, s18;
	s13 =	smul.f32 $5.000000000e-01, s4;
	v47 =	vadd.f32 v6, v14;
	v57 =	vmul.f32 v49, v49;
	[tilespmem:v16+s22+$0x60 ss:$0x1] =	vst.idx.msk $0xffff, v5  }
0x1be: {  	v62 =	vld.idx.msk [tilespmem:v16+s15+$0xFFFFFFC0 ss:$0x1], $0xffff;
	v13, _, _ =	vpop (xrf2);
	v18 =	vadd.f32 v49, v22;
	v5 =	vmul.f32 v58, v20;
	[tilespmem:v16+s22+$0x70 ss:$0x1] =	vst.idx.msk $0xffff, v4;
	s22 =	smov.u32 s21;
	s21 =	smov.u32 s23;
	s23 =	sshra.s32 s4, $0x1  }
0x1bf: {  	s31 =	sadd.s32 $0x2, s31;
	s24 =	smul.f32 s12, s17;
	(v2sf) =	vpush v13, $0xF;
	v13 =	vld [tilespmem:s14+$0x50];
	v24 =	vadd.f32 v57, v56;
	s17 =	ssub.s32 $0x5F3759DF, s23  }
0x1c0: {  	p0 =	slt.u32 s31, $0xC6;
	v4 =	vld [tilespmem:s14+$0x40];
	v6 =	vadd.f32 v18, v17;
	v7 =	vadd.f32 v5, v8;
	s4 =	smul.f32 s17, s13  }
.Ltmp1:
0x1c1: {  	v33 =	vmovc v42;
	v57 =	vld [tilespmem:s29+$0x80];
	v17 =	vmul.f32 v59, v23;
	v42 =	vadd.f32 v21, v63;
	v36 =	vadd.f32 v12, v9;
	(pc) =	sbr.rel @p0 .LBB2_5-.Ltmp1, $4  }
0x1c2: {  	v32 =	vmovc v39;
	v29 =	vmov v22;
	s23 =	smov.u32 s15;
	v8 =	vld [tilespmem:s14+$0x10];
	v9 =	vadd.f32 v37, v43;
	v12 =	vadd.f32 v20, v44  }
0x1c3: {  	[tilespmem:$0x1FEE0] =	vst v3;
	v59 =	vmul.f32 s24, v28;
	v3 =	vld.idx.msk [tilespmem:v16+s23+$0x10 ss:$0x1], $0xffff;
	v22 =	vadd.f32 v19, v2;
	v11 =	vadd.f32 v17, v11;
	s4 =	smul.f32 s17, s4  }
0x1c4: {  	v14 =	vmovc v26;
	v5 =	vld.idx.msk [tilespmem:v16+s23+$0xFFFFFF90 ss:$0x1], $0xffff;
	v63 =	vmul.f32 s24, v26;
	v2 =	vmul.f32 v40, v40;
	v39 =	vadd.f32 v13, v1  }
0x1c5: {  	s1 =	sadd.s32 $0x2, s1;
	s16 =	spop (v2sf);
	v28 =	vmovc v38;
	v1 =	vld [tilespmem:s29+$0x90];
	v9 =	vadd.f32 v9, v12;
	v56 =	vmul.f32 v22, v22;
	v10 =	vadd.f32 v24, v11;
	s14 =	ssub.f32 $1.500000000e+00, s4  }
0x1c6: {  	v0 =	vadd.f32 v0, v7  }
0x1c7: {  	v6 =	vadd.f32 v9, v6  }
0x1c8: {  	v0 =	vadd.f32 v0, v10  }
0x1c9: {  	(xrf2) =	vadd.scan.msk.f32 $0xffff, v6  }
0x1ca: {  	(xrf2) =	vadd.scan.msk.f32 $0xffff, v0;
	_ =	sdelay $0x2  }
0x1cb: {  	v17 =	vadd.f32 v4, v62;
	_ =	sdelay $0x1  }
0x1cc: {  	v6 =	vld.idx.msk [tilespmem:v16+s23+$0x30 ss:$0x1], $0xffff;
	[tilespmem:$0x1FE30] =	vst v17  }
0x1cd: {  	v38 =	vadd.f32 v34, v40;
	v10 =	vmul.f32 v39, v39;
	v11 =	vld.idx.msk [tilespmem:v16+s23+$0x60 ss:$0x1], $0xffff  }
0x1ce: {  	v12 =	vmul.f32 v34, v34;
	v9 =	vmul.f32 v17, v17;
	v62 =	vadd.f32 v8, v5;
	v8 =	vld.idx.msk [tilespmem:v16+s23+$0x40 ss:$0x1], $0xffff  }
0x1cf: {  	v58 =	vadd.f32 v36, v42;
	v19 =	vmul.f32 v42, v42;
	v21 =	vmul.f32 v36, v36;
	v14 =	vld.idx.msk [tilespmem:v16+s23+$0x70 ss:$0x1], $0xffff  }
0x1d0: {  	v13 =	vmul.f32 v41, v41;
	v2 =	vadd.f32 v12, v2;
	v9 =	vadd.f32 v10, v9;
	v24 =	vld [tilespmem:s29+$0xE0];
	v18, _, _ =	vpop (xrf2)  }
0x1d1: {  	v12 =	vld.idx.msk [tilespmem:v16+s23+$0x0 ss:$0x1], $0xffff;
	v15 =	vmul.f32 v62, v62;
	v25 =	vadd.f32 v62, v41;
	(v2sf) =	vpush v18, $0xF;
	v10, _, _ =	vpop (xrf2)  }
0x1d2: {  	v18 =	vld [tilespmem:s29+$0xF0];
	(v2sf) =	vpush v10, $0xF;
	v10 =	vadd.f32 v39, v17  }
0x1d3: {  	v5 =	vadd.f32 v21, v19;
	v30 =	vld [tilespmem:s29+$0xC0];
	v13 =	vadd.f32 v15, v13  }
0x1d4: {  	s1 =	smul.f32 s17, s14;
	v0 =	vadd.f32 v38, v25;
	v4 =	vadd.f32 v58, v10;
	v10 =	vld [tilespmem:s29+$0xB0]  }
0x1d5: {  	s14 =	smul.f32 $7.812500000e-03, s16;
	v38 =	vadd.f32 v1, v3;
	v27 =	vadd.f32 v2, v13  }
0x1d6: {  	v57 =	vadd.f32 v57, v12;
	v17 =	vadd.f32 v5, v9  }
0x1d7: {  	s12 =	smul.f32 s14, s14;
	s4 =	spop (v2sf);
	v9 =	vadd.f32 v24, v11;
	v19 =	vadd.f32 v18, v14  }
0x1d8: {  	s4 =	smul.f32 $7.812500000e-03, s4;
	v1 =	vadd.f32 v17, v27;
	v0 =	vadd.f32 v4, v0  }
0x1d9: {  	v58 =	vadd.f32 v30, v8;
	v24 =	vmov v19;
	v21 =	vadd.f32 v10, v6  }
0x1da: {  	s4 =	ssub.f32 s4, s12;
	v30 =	vadd.f32 v38, v57;
	(xrf2) =	vadd.scan.msk.f32 $0xffff, v0;
	v6 =	vadd.f32 v24, v9  }
0x1db: {  	s2 =	smul.f32 s1, s13;
	[tilespmem:$0x1FE40] =	vst v21;
	v17 =	vadd.f32 v21, v22;
	v18 =	vmul.f32 v21, v21;
	v21 =	vadd.f32 v47, v58  }
0x1dc: {  	s4 =	sadd.f32 $9.999999960e-13, s4;
	v8 =	vmul.f32 v47, v47;
	(xrf2) =	vadd.scan.msk.f32 $0xffff, v1  }
0x1dd: {  	s2 =	smul.f32 s2, s1;
	v14 =	vmovc v26;
	v26 =	vmul.f32 v9, v9;
	v2 =	vadd.f32 v17, v30;
	v24 =	vadd.f32 v6, v21  }
0x1de: {  	s18 =	sshra.s32 s4, $0x1;
	s4 =	smul.f32 $5.000000000e-01, s4;
	[tilespmem:$0x1FE60] =	vst v19;
	v25 =	vmul.f32 v19, v19;
	v19 =	vmul.f32 v58, v58;
	v21 =	vld [tilespmem:$0x1FFB0]  }
0x1df: {  	s2 =	ssub.f32 $1.500000000e+00, s2;
	s15 =	ssub.s32 $0x5F3759DF, s18;
	[tilespmem:$0x1FE50] =	vst v9;
	v27 =	vmul.f32 v57, v57;
	v9 =	vmul.f32 v38, v38;
	v2 =	vadd.f32 v24, v2  }
0x1e0: {  	s31 =	smul.f32 s15, s4;
	v0 =	vadd.f32 v25, v26;
	v3 =	vadd.f32 v8, v19;
	v17 =	vld [tilespmem:$0x1FF90]  }
0x1e1: {  	s2 =	smul.f32 s2, s1;
	v1 =	vadd.f32 v9, v27;
	v5 =	vadd.f32 v18, v56;
	(xrf2) =	vadd.scan.msk.f32 $0xffff, v2  }
0x1e2: {  	s12 =	smul.f32 s15, s31;
	v24 =	vld [tilespmem:$0x1FFD0];
	s29 =	spop (v2sf)  }
0x1e3: {  	v0 =	vadd.f32 v0, v3;
	v18 =	vld [tilespmem:$0x1FFA0];
	v1 =	vadd.f32 v5, v1;
	s1 =	smul.f32 $7.812500000e-03, s29;
	s17 =	spop (v2sf);
	v19 =	vmul.f32 s24, v21  }
0x1e4: {  	v6 =	vsub.f32 v28, v48;
	v28 =	vld [tilespmem:$0x1FF10];
	s16 =	smul.f32 $7.812500000e-03, s17  }
0x1e5: {  	v0 =	vadd.f32 v0, v1;
	v25, _, _ =	vpop (xrf2);
	v30 =	vmul.f32 s24, v17;
	s18 =	smul.f32 s1, s1;
	v4 =	vmul.f32 v19, v51;
	v51 =	vld [tilespmem:$0x1FF20]  }
0x1e6: {  	s12 =	ssub.f32 $1.500000000e+00, s12;
	v1 =	vmul.f32 v59, v61;
	(v2sf) =	vpush v25, $0xF;
	v26, _, _ =	vpop (xrf2)  }
0x1e7: {  	s29 =	smul.f32 s2, s13;
	(xrf2) =	vadd.scan.msk.f32 $0xffff, v0;
	(v2sf) =	vpush v26, $0xF;
	v0 =	vmul.f32 v30, v54;
	v26 =	vmul.f32 s24, v24;
	v54 =	vld [tilespmem:$0x1FF30];
	s16 =	ssub.f32 s16, s18  }
0x1e8: {  	s12 =	smul.f32 s15, s12;
	v56 =	vmul.f32 v63, v55;
	v63 =	vld [tilespmem:$0x1FE70]  }
0x1e9: {  	s31 =	smul.f32 s29, s2;
	v1 =	vadd.f32 v1, v28;
	v7 =	vmul.f32 v26, v52;
	v52 =	vld [tilespmem:$0x1FF40];
	s16 =	sadd.f32 $9.999999960e-13, s16  }
0x1ea: {  	v55 =	vld [tilespmem:$0x1FF50];
	v59 =	vmul.f32 s24, v18;
	s29 =	smul.f32 s12, s4;
	v2 =	vadd.f32 v56, v51  }
0x1eb: {  	v26 =	vld [tilespmem:$0x1FFE0];
	[tilespmem:v16+s22+$0xFFFFFF80 ss:$0x1] =	vst.idx.msk $0xffff, v1;
	s18 =	sshra.s32 s16, $0x1;
	s13 =	smul.f32 $5.000000000e-01, s16;
	v27, _, _ =	vpop (xrf2)  }
0x1ec: {  	v3 =	vmul.f32 v59, v60;
	s16 =	smul.f32 s29, s12;
	v0 =	vadd.f32 v0, v54;
	s15 =	ssub.s32 $0x5F3759DF, s18;
	(v2sf) =	vpush v27, $0xF;
	v27 =	vld [tilespmem:$0x1FFF0];
	[tilespmem:v16+s22+$0xFFFFFF90 ss:$0x1] =	vst.idx.msk $0xffff, v2  }
0x1ed: {  	s17 =	ssub.f32 $1.500000000e+00, s31;
	s18 =	smul.f32 s15, s13;
	v25 =	vld [tilespmem:$0x1FF60]  }
0x1ee: {  	s31 =	ssub.f32 $1.500000000e+00, s16;
	v3 =	vadd.f32 v3, v52;
	v15 =	vld [tilespmem:$0x1FFC0];
	[tilespmem:v16+s22+$0xFFFFFFA0 ss:$0x1] =	vst.idx.msk $0xffff, v0  }
0x1ef: {  	s18 =	smul.f32 s15, s18;
	v0 =	vld [tilespmem:$0x1FE90]  }
0x1f0: {  	v4 =	vadd.f32 v4, v55;
	v8 =	vmul.f32 s24, v26;
	s12 =	smul.f32 s31, s12;
	v11 =	vld [tilespmem:$0x1FE80];
	[tilespmem:v16+s22+$0xFFFFFFB0 ss:$0x1] =	vst.idx.msk $0xffff, v3  }
0x1f1: {  	s16 =	smul.f32 s17, s2;
	s17 =	ssub.f32 $1.500000000e+00, s18;
	v19 =	vld [tilespmem:$0x1FF70];
	v30 =	vmul.f32 s24, v27  }
0x1f2: {  	v8 =	vmul.f32 v8, v46;
	s18 =	smul.f32 s12, s4;
	[tilespmem:v16+s22+$0xFFFFFFC0 ss:$0x1] =	vst.idx.msk $0xffff, v4  }
0x1f3: {  	v61, _, _ =	vpop (xrf2);
	s15 =	smul.f32 s15, s17;
	v46 =	vmul.f32 s16, v15;
	v1 =	vmul.f32 v30, v45;
	v30 =	vld [tilespmem:$0x1FF80]  }
0x1f4: {  	v10 =	vsub.f32 v35, v48;
	v12 =	vmul.f32 s16, v14;
	(v2sf) =	vpush v61, $0xF;
	s31 =	smul.f32 s18, s12  }
0x1f5: {  	s18 =	spop (v2sf);
	v35 =	vadd.f32 v7, v25;
	s29 =	smul.f32 s15, s13;
	v0 =	vsub.f32 v0, v48;
	v7 =	vmul.f32 v46, v50  }
0x1f6: {  	s2 =	smul.f32 $7.812500000e-03, s18;
	v56 =	vadd.f32 v8, v19  }
0x1f7: {  	s17 =	ssub.f32 $1.500000000e+00, s31;
	v8 =	vmul.f32 s16, v17;
	[tilespmem:v16+s22+$0xFFFFFFD0 ss:$0x1] =	vst.idx.msk $0xffff, v35;
	s4 =	smul.f32 s29, s15;
	v0 =	vmul.f32 v12, v0;
	v7 =	vadd.f32 v7, v28  }
0x1f8: {  	v5 =	vsub.f32 v63, v48;
	s29 =	spop (v2sf);
	s31 =	smul.f32 s2, s2;
	[tilespmem:v16+s22+$0xFFFFFFE0 ss:$0x1] =	vst.idx.msk $0xffff, v56;
	v1 =	vadd.f32 v1, v30  }
0x1f9: {  	v59 =	vmul.f32 s16, v18;
	s18 =	smul.f32 $7.812500000e-03, s29;
	v60 =	vmul.f32 v8, v53;
	v0 =	vadd.f32 v0, v51;
	[tilespmem:v16+s22+$0x0 ss:$0x1] =	vst.idx.msk $0xffff, v7  }
0x1fa: {  	v9 =	vsub.f32 v31, v48;
	v8 =	vmul.f32 s16, v21;
	[tilespmem:v16+s22+$0xFFFFFFF0 ss:$0x1] =	vst.idx.msk $0xffff, v1  }
0x1fb: {  	v63 =	vmul.f32 s16, v24;
	v61 =	vmul.f32 v59, v5;
	s18 =	ssub.f32 s18, s31;
	v31 =	vadd.f32 v60, v54;
	v7 =	vld [tilespmem:$0x1FEF0];
	[tilespmem:v16+s22+$0x10 ss:$0x1] =	vst.idx.msk $0xffff, v0  }
0x1fc: {  	v45 =	vmul.f32 s16, v26;
	s4 =	ssub.f32 $1.500000000e+00, s4;
	v35 =	vmul.f32 v8, v6;
	v8 =	vld [tilespmem:$0x1FED0]  }
0x1fd: {  	v4 =	vmul.f32 v63, v9;
	s17 =	smul.f32 s17, s12;
	s18 =	sadd.f32 $9.999999960e-13, s18;
	v9 =	vld [tilespmem:$0x1FEC0];
	[tilespmem:v16+s22+$0x20 ss:$0x1] =	vst.idx.msk $0xffff, v31  }
0x1fe: {  	v3 =	vadd.f32 v61, v52;
	v5 =	vmul.f32 v45, v10;
	s24 =	smul.f32 s4, s15;
	v10 =	vld [tilespmem:$0x1FEE0]  }
0x1ff: {  	v63 =	vmov s1;
	v4 =	vadd.f32 v4, v25;
	v46 =	vmov s14;
	s29 =	sshra.s32 s18, $0x1;
	s15 =	smul.f32 $5.000000000e-01, s18  }
0x200: {  	v11 =	vsub.f32 v11, v48;
	v48 =	vmul.f32 s16, v27;
	v50 =	vsub.f32 v33, v46;
	s12 =	smul.f32 s24, s13;
	s14 =	ssub.s32 $0x5F3759DF, s29;
	[tilespmem:v16+s22+$0x30 ss:$0x1] =	vst.idx.msk $0xffff, v3  }
0x201: {  	v53 =	vsub.f32 v32, v46;
	v12 =	vmul.f32 s17, v15;
	v5 =	vadd.f32 v5, v19;
	s31 =	spop (v2sf);
	s18 =	smul.f32 s14, s15;
	v3 =	vld [tilespmem:$0x1FEA0]  }
0x202: {  	v59 =	vmul.f32 s17, v24;
	v2 =	vadd.f32 v35, v55;
	v0 =	vmul.f32 v48, v11;
	s13 =	smul.f32 $7.812500000e-03, s31  }
0x203: {  	v11 =	vmul.f32 s17, v14;
	v7 =	vsub.f32 v7, v46;
	s4 =	smul.f32 s14, s18;
	v10 =	vsub.f32 v10, v46  }
0x204: {  	v33 =	vmul.f32 s17, v27;
	v61 =	vmul.f32 v59, v53;
	s29 =	spop (v2sf);
	s12 =	smul.f32 s12, s24;
	v0 =	vadd.f32 v0, v30;
	[tilespmem:v16+s22+$0x40 ss:$0x1] =	vst.idx.msk $0xffff, v2  }
0x205: {  	s31 =	smul.f32 s13, s13;
	v2 =	vsub.f32 v37, v63;
	v7 =	vmul.f32 v11, v7;
	s4 =	ssub.f32 $1.500000000e+00, s4;
	v10 =	vmul.f32 v12, v10;
	v12 =	vld [tilespmem:$0x1FEB0]  }
0x206: {  	s16 =	smul.f32 $7.812500000e-03, s29;
	v8 =	vsub.f32 v8, v46;
	v11 =	vmul.f32 s17, v17;
	v3 =	vsub.f32 v3, v46;
	[tilespmem:v16+s22+$0x50 ss:$0x1] =	vst.idx.msk $0xffff, v4  }
0x207: {  	s12 =	ssub.f32 $1.500000000e+00, s12;
	v9 =	vsub.f32 v9, v46;
	s4 =	smul.f32 s14, s4;
	v31 =	vadd.f32 v7, v51;
	[tilespmem:v16+s22+$0x60 ss:$0x1] =	vst.idx.msk $0xffff, v5  }
0x208: {  	s16 =	ssub.f32 s16, s31;
	v3 =	vmul.f32 v11, v3;
	v11 =	vsub.f32 v49, v63;
	v5 =	vmul.f32 v33, v8  }
0x209: {  	v8 =	vsub.f32 v23, v63;
	[tilespmem:v16+s22+$0x70 ss:$0x1] =	vst.idx.msk $0xffff, v0;
	s18 =	smul.f32 s4, s15;
	v0 =	vadd.f32 v61, v25  }
0x20a: {  	v56 =	vmul.f32 s17, v18;
	s16 =	sadd.f32 $9.999999960e-13, s16;
	s14 =	smul.f32 s12, s24;
	v32 =	vld [tilespmem:$0x1FF00];
	v3 =	vadd.f32 v3, v54;
	v6 =	vsub.f32 v12, v46  }
0x20b: {  	s24 =	smul.f32 s18, s4;
	v12 =	vmul.f32 s17, v21;
	v46 =	vsub.f32 v20, v63;
	v20 =	vmov s2  }
0x20c: {  	s1 =	smul.f32 $5.000000000e-01, s16;
	s22 =	sshra.s32 s16, $0x1;
	v53 =	vmul.f32 s14, v18;
	v5 =	vadd.f32 v5, v30;
	v33 =	vsub.f32 v34, v20  }
0x20d: {  	s29 =	ssub.s32 $0x5F3759DF, s22;
	s12 =	ssub.f32 $1.500000000e+00, s24;
	v4 =	vmul.f32 v56, v6;
	v60 =	vmul.f32 v12, v9;
	v9 =	vadd.f32 v10, v28  }
0x20e: {  	s31 =	smul.f32 s29, s1;
	v10 =	vsub.f32 v29, v63;
	v56 =	vmul.f32 v53, v11;
	v11 =	vsub.f32 v40, v20  }
0x20f: {  	v12 =	vsub.f32 v41, v20;
	v7 =	vsub.f32 v32, v63;
	s4 =	smul.f32 s12, s4;
	[tilespmem:v16+s21+$0xFFFFFF80 ss:$0x1] =	vst.idx.msk $0xffff, v9;
	v9 =	vmul.f32 s17, v26  }
0x210: {  	v45 =	vmul.f32 s14, v14;
	v4 =	vadd.f32 v4, v52;
	v35 =	vadd.f32 v60, v55;
	s17 =	smul.f32 s29, s31;
	[tilespmem:v16+s21+$0xFFFFFF90 ss:$0x1] =	vst.idx.msk $0xffff, v31  }
0x211: {  	s15 =	smul.f32 s4, s15;
	v1 =	vmul.f32 v9, v50;
	v9 =	vsub.f32 v44, v63;
	[tilespmem:v16+s21+$0xFFFFFFA0 ss:$0x1] =	vst.idx.msk $0xffff, v3;
	v44 =	vmul.f32 s14, v15  }
0x212: {  	v61 =	vmul.f32 s14, v24;
	v31 =	vsub.f32 v39, v20;
	v50 =	vmul.f32 v45, v8;
	s18 =	ssub.f32 $1.500000000e+00, s17;
	[tilespmem:v16+s21+$0xFFFFFFB0 ss:$0x1] =	vst.idx.msk $0xffff, v4  }
0x213: {  	v48 =	vmul.f32 s14, v17;
	s15 =	smul.f32 s15, s4;
	[tilespmem:v16+s21+$0xFFFFFFC0 ss:$0x1] =	vst.idx.msk $0xffff, v35;
	v6 =	vmul.f32 v44, v7;
	v49 =	vadd.f32 v1, v19  }
0x214: {  	v59 =	vmul.f32 s14, v21;
	v8 =	vsub.f32 v43, v63;
	v3 =	vmul.f32 v61, v46;
	s12 =	smul.f32 s29, s18;
	[tilespmem:v16+s21+$0xFFFFFFD0 ss:$0x1] =	vst.idx.msk $0xffff, v0  }
0x215: {  	v7 =	vmul.f32 v48, v10;
	s22 =	ssub.f32 $1.500000000e+00, s15;
	[tilespmem:v16+s21+$0xFFFFFFE0 ss:$0x1] =	vst.idx.msk $0xffff, v49;
	v60 =	vadd.f32 v6, v28  }
0x216: {  	v1 =	vadd.f32 v50, v51;
	v4 =	vmul.f32 v59, v9;
	s16 =	smul.f32 s12, s1;
	[tilespmem:v16+s21+$0xFFFFFFF0 ss:$0x1] =	vst.idx.msk $0xffff, v5  }
0x217: {  	v63 =	vmul.f32 s14, v26;
	v9 =	vsub.f32 v62, v20;
	v7 =	vadd.f32 v7, v54;
	s2 =	smul.f32 s22, s4;
	[tilespmem:v16+s21+$0x0 ss:$0x1] =	vst.idx.msk $0xffff, v60  }
0x218: {  	v23 =	vmul.f32 s14, v27;
	v32 =	vadd.f32 v3, v25;
	v0 =	vadd.f32 v56, v52;
	[tilespmem:v16+s21+$0x10 ss:$0x1] =	vst.idx.msk $0xffff, v1  }
0x219: {  	v4 =	vadd.f32 v4, v55;
	v5 =	vmul.f32 v63, v8;
	s24 =	smul.f32 s16, s12;
	v13 =	vmul.f32 s2, v15;
	v10 =	vld [tilespmem:$0x1FE30];
	[tilespmem:v16+s21+$0x20 ss:$0x1] =	vst.idx.msk $0xffff, v7  }
0x21a: {  	v8 =	vsub.f32 v36, v20;
	v1 =	vmul.f32 v23, v2;
	v34 =	vmul.f32 s2, v14;
	[tilespmem:v16+s21+$0x30 ss:$0x1] =	vst.idx.msk $0xffff, v0  }
0x21b: {  	v35 =	vadd.f32 v5, v19;
	s29 =	ssub.f32 $1.500000000e+00, s24;
	v36 =	vmul.f32 v13, v12;
	v12 =	vmul.f32 s2, v17;
	[tilespmem:v16+s21+$0x40 ss:$0x1] =	vst.idx.msk $0xffff, v4  }
0x21c: {  	v40 =	vmul.f32 s2, v18;
	v37 =	vadd.f32 v1, v30;
	v39 =	vmul.f32 v34, v9;
	[tilespmem:v16+s21+$0x50 ss:$0x1] =	vst.idx.msk $0xffff, v32  }
0x21d: {  	s4 =	smul.f32 s29, s12;
	v9 =	vmul.f32 v12, v11;
	v5 =	vadd.f32 v36, v28;
	[tilespmem:v16+s21+$0x60 ss:$0x1] =	vst.idx.msk $0xffff, v35  }
0x21e: {  	v3 =	vmul.f32 v40, v33;
	v1 =	vadd.f32 v39, v51;
	[tilespmem:v16+s21+$0x70 ss:$0x1] =	vst.idx.msk $0xffff, v37  }
0x21f: {  	s1 =	smul.f32 s4, s1;
	v9 =	vadd.f32 v9, v54;
	v44 =	vld [tilespmem:$0x1FE40];
	[tilespmem:v16+s23+$0xFFFFFF80 ss:$0x1] =	vst.idx.msk $0xffff, v5  }
0x220: {  	v3 =	vadd.f32 v3, v52;
	[tilespmem:v16+s23+$0xFFFFFF90 ss:$0x1] =	vst.idx.msk $0xffff, v1  }
0x221: {  	v29 =	vsub.f32 v42, v20;
	v41 =	vmov s13;
	s1 =	smul.f32 s1, s4;
	v13 =	vld [tilespmem:$0x1FE50];
	[tilespmem:v16+s23+$0xFFFFFFA0 ss:$0x1] =	vst.idx.msk $0xffff, v9  }
0x222: {  	v42 =	vsub.f32 v57, v41;
	v43 =	vmul.f32 s2, v24;
	v45 =	vmul.f32 s2, v26;
	[tilespmem:v16+s23+$0xFFFFFFB0 ss:$0x1] =	vst.idx.msk $0xffff, v3  }
0x223: {  	v46 =	vmul.f32 s2, v27;
	v11 =	vmul.f32 s2, v21;
	v10 =	vsub.f32 v10, v20;
	s1 =	ssub.f32 $1.500000000e+00, s1;
	v9 =	vld [tilespmem:$0x1FE60]  }
0x224: {  	v48 =	vsub.f32 v47, v41;
	v6 =	vmul.f32 v43, v31;
	v2 =	vmul.f32 v45, v29  }
0x225: {  	v49 =	vsub.f32 v38, v41;
	v12 =	vsub.f32 v58, v41;
	v10 =	vmul.f32 v11, v10;
	s1 =	smul.f32 s1, s4  }
0x226: {  	v6 =	vadd.f32 v6, v25;
	v2 =	vadd.f32 v2, v19;
	v1 =	vmul.f32 v46, v8  }
0x227: {  	v11 =	vsub.f32 v22, v41;
	v10 =	vadd.f32 v10, v55;
	v8 =	vmul.f32 s1, v15  }
0x228: {  	v1 =	vadd.f32 v1, v30;
	v4 =	vsub.f32 v9, v41;
	v9 =	vmul.f32 s1, v14  }
0x229: {  	v7 =	vsub.f32 v44, v41;
	[tilespmem:v16+s23+$0xFFFFFFC0 ss:$0x1] =	vst.idx.msk $0xffff, v10;
	v0 =	vmul.f32 v8, v42;
	v8 =	vmul.f32 s1, v17  }
0x22a: {  	[tilespmem:v16+s23+$0xFFFFFFD0 ss:$0x1] =	vst.idx.msk $0xffff, v6;
	v50 =	vmul.f32 s1, v18;
	v13 =	vsub.f32 v13, v41;
	v3 =	vmul.f32 v9, v49  }
0x22b: {  	[tilespmem:v16+s23+$0xFFFFFFE0 ss:$0x1] =	vst.idx.msk $0xffff, v2;
	v53 =	vmul.f32 v8, v11;
	v8 =	vmul.f32 s1, v21;
	v0 =	vadd.f32 v0, v28  }
0x22c: {  	v58 =	vmul.f32 s1, v24;
	[tilespmem:v16+s23+$0xFFFFFFF0 ss:$0x1] =	vst.idx.msk $0xffff, v1;
	v57 =	vmul.f32 v50, v7;
	v56 =	vadd.f32 v3, v51  }
0x22d: {  	v60 =	vmul.f32 s1, v26;
	v59 =	vmul.f32 v8, v12;
	v2 =	vadd.f32 v53, v54;
	[tilespmem:v16+s23+$0x0 ss:$0x1] =	vst.idx.msk $0xffff, v0  }
0x22e: {  	v61 =	vmul.f32 s1, v27;
	v5 =	vmul.f32 v58, v48;
	v3 =	vadd.f32 v57, v52;
	[tilespmem:v16+s23+$0x10 ss:$0x1] =	vst.idx.msk $0xffff, v56  }
0x22f: {  	v0 =	vmul.f32 v60, v13;
	v62 =	vadd.f32 v59, v55;
	[tilespmem:v16+s23+$0x20 ss:$0x1] =	vst.idx.msk $0xffff, v2  }
0x230: {  	p0 =	slt.u32 s20, $0x20;
	v63 =	vadd.f32 v5, v25;
	v1 =	vmul.f32 v61, v4;
	[tilespmem:v16+s23+$0x30 ss:$0x1] =	vst.idx.msk $0xffff, v3  }
.Ltmp2:
0x231: {  	v0 =	vadd.f32 v0, v19;
	[tilespmem:v16+s23+$0x40 ss:$0x1] =	vst.idx.msk $0xffff, v62;
	(pc) =	sbr.rel @p0 .LBB2_4-.Ltmp2, $4  }
0x232: {  	v1 =	vadd.f32 v1, v30;
	[tilespmem:v16+s23+$0x50 ss:$0x1] =	vst.idx.msk $0xffff, v63  }
0x233: {  	s31 =	sshll.u32 s25, $0x4;
	[tilespmem:v16+s23+$0x60 ss:$0x1] =	vst.idx.msk $0xffff, v0  }
0x234: {  	s25 =	smov.u32 s20;
	s1 =	sadd.s32 s7, s31;
	[tilespmem:v16+s23+$0x70 ss:$0x1] =	vst.idx.msk $0xffff, v1  }
0x235: {  	v11 =	vmov v15;
	[hbm4b:s1+s8] =	stream.linear.scatter [tilespmem:s28], [sflag:$0x2], $0x6400, $0x38;
	[tilespmem:$0x1FB80] =	vst v63  }
0x236: {  	s2 =	simm.s32 $0x2  }
0x237: {  	_ =	swait.ge [sflag:s2], $0x6400  }
0x238: {  	[sflag:s2] =	ssyncset.done $0x0  }
0x239: {  	[sflag:s2] =	ssyncadd.s32 $0xFFFF9C00  }
0x23a: {  	_ =	swait.ge [sflag:s2], $0x6400  }
0x23b: {  	s6 =	sadd.s32 $0x1, s6;
	s1 =	rddreg [dreg:$0xe]  }
0x23c: {  	p0 =	sne.s32 s6, s1  }
.Ltmp3:
0x23d: {  	_ = 	snop;
	(pc) =	sbr.rel @p0 .LBB2_1-.Ltmp3, $3  }
0x23e: {  	_ =	sdelay $0x1  }
0x23f: {  	[sflag:s2] =	ssyncset.done $0x0  }
0x240: {  	[sflag:s2] =	ssyncadd.s32 $0xFFFF9C00  }
0x241: {  	_ =	sfence.sel $0x180000  }
0x242: {  	[bflag:$0x0] =	sbarrier.arrive $0xFFFF  }
0x243: {  	_ =	strace $0x90000047  }
0x244: {  	s0 =	stileid.u32;
	[bflag:$0x2] =	sbarrier.arrive $0xFFFF  }
0x245: {  	p0 =	sne.s32 s0, $0x0;
	s0 =	rddreg [dreg:$0x7]  }
0x246: {  	s0 =	sadd.s32 @!p0 $0x100000, s0  }
0x247: {  	[sflag:s0] =	ssyncadd.tile.s32 @!p0 $0x1;
	_ =	shalt  }
.Lfunc_end2:
_tile_overlayer_lowered:
.L_overlay_start_2:
0x248: {  	(tag) =	ssettag $0x2  }
0x249: {  	s0 =	rddreg [dreg:$0x0];
	s2 =	stileid.u32  }
0x24a: {  	s1 =	rddreg [dreg:$0x1];
	p0 =	sne.s32 s2, $0x0  }
0x24b: {  	s3 =	rddreg [dreg:$0x2];
	[bflag:$0x3] =	sbarrier.arrive $0xFFFF;
	s2 =	simm.s32 @!p0 $0x1C04  }
0x24c: {  	[timem:s3], [sflag:s2] =	dma.local @!p0 [hbm:s0], s1  }
0x24d: {  	s0 =	simm.s32 @!p0 $0x4  }
0x24e: {  	_ =	swait.ge @!p0 [sflag:s0], s1  }
0x24f: {  	s1 =	ssub.s32 @!p0 $0x0, s1;
	[sflag:s0] =	ssyncset.done @!p0 $0x0  }
0x250: {  	[sflag:s0] =	ssyncadd.s32 @!p0 s1  }
0x251: {  	[bflag:$0x3] =	sbarrier.arrive $0xFFFF  }
0x252: {  	_ =	shalt  }

</sc_bundles>
